<compile_context>
chip_gen: v7x
topology: tpu7x:2x2x1
jax: 0.10.2.dev20260603
libtpu: 0.0.44.dev20260713+nightly
codegen_flags: <defaults>
</compile_context>

<pallas_src>
import functools
import math

import jax
import jax.numpy as jnp
from jax import lax
from jax.experimental import pallas as pl
from jax.experimental.pallas import tpu as pltpu
from jax.experimental.pallas import tpu_sc as plsc

_VOCAB = 100000
_DIM = 128
_B = 4096
_L = 50
_NC = 2
_NS = 16
_NW = _NC * _NS
_RPW = _B // _NW
_LANES = 16
_SCALE = math.sqrt(_DIM)
_RING = 5


def _build_sc_kernel():
    mesh = plsc.VectorSubcoreMesh(core_axis_name="c", subcore_axis_name="s")

    @functools.partial(
        pl.kernel,
        mesh=mesh,
        out_type=jax.ShapeDtypeStruct((_L, _B, _DIM), jnp.float32),
        scratch_types=[
            pltpu.VMEM((_L, _RPW), jnp.int32),
            pltpu.VMEM((_RING, _RPW, _DIM), jnp.float32),
            pltpu.SemaphoreType.DMA,
            pltpu.SemaphoreType.DMA,
        ],
    )
    def k(table_hbm, xt_hbm, out_hbm, idx_v, rows_v, gsem, osem):
        wid = lax.axis_index("s") * _NC + lax.axis_index("c")
        base = wid * _RPW
        pltpu.sync_copy(xt_hbm.at[:, pl.ds(base, _RPW)], idx_v)
        for p in range(3):
            pltpu.async_copy(table_hbm.at[idx_v.at[p]], rows_v.at[p], gsem)

        def outer(h, _):
            for b in range(_RING):
                l = _RING * h + b
                nxt = (b + 3) % _RING

                @pl.when(l >= 2)
                def _wait_prev_write():
                    pltpu.make_async_copy(
                        rows_v.at[nxt], out_hbm.at[0, pl.ds(base, _RPW)], osem
                    ).wait()

                @pl.when(l + 3 < _L)
                def _start_next_gather():
                    pltpu.async_copy(
                        table_hbm.at[idx_v.at[l + 3]], rows_v.at[nxt], gsem
                    )

                pltpu.make_async_copy(
                    table_hbm.at[idx_v.at[l]], rows_v.at[b], gsem
                ).wait()

                @plsc.parallel_loop(0, _RPW * _DIM // _LANES, unroll=8)
                def _scale(j):
                    r = lax.shift_right_logical(j, 3)
                    sl = pl.ds(lax.shift_left(j & 7, 4), _LANES)
                    rows_v[b, r, sl] = rows_v[b, r, sl] * _SCALE

                pltpu.async_copy(
                    rows_v.at[b], out_hbm.at[l, pl.ds(base, _RPW)], osem
                )
            return 0

        lax.fori_loop(0, _L // _RING, outer, 0)
        for p in range(2):
            pltpu.make_async_copy(
                rows_v.at[p], out_hbm.at[0, pl.ds(base, _RPW)], osem
            ).wait()

    return k


_sc_gather = _build_sc_kernel()


def kernel(x, table):
    out_lbd = _sc_gather(table, x.T)
    return out_lbd.transpose(1, 0, 2)

# --- scband reference (transcript-rebuilt; emitter-appended) ---
"""Pipeline reference for scband-tforge-embedding-2241972928780 (READ-ONLY COPY).

The authoritative reference and input builder live on the scoring server;
editing this copy changes nothing except your own understanding.
"""

import jax, jax.numpy as jnp
import numpy as np
import math

VOCAB = 100000
DIM = 128
PAD = 0
B = 4096
L = 50

def setup_inputs(seed: int = 0) -> dict:
    key = jax.random.key(seed)
    k1, k2 = jax.random.split(key)
    x = jax.random.randint(k1, (B, L), 0, VOCAB, dtype=jnp.int64 if jax.config.jax_enable_x64 else jnp.int32).astype(jnp.int32)
    table = jax.random.normal(k2, (VOCAB, DIM), dtype=jnp.float32)
    # nn.Embedding with padding_idx initializes the pad row to zeros
    table = table.at[PAD].set(0.0)
    return {"x": x, "table": table}

def reference(x, table):
    # faithful translation of TForgeEmbedding.forward
    emb = jnp.take(table, x, axis=0)  # embedding lookup (gather)
    out = emb * math.sqrt(DIM)
    return out

if __name__ == "__main__":
    import jax
    _d = setup_inputs()
    print(jax.jit(kernel)(*tuple(_d.values())))

</pallas_src>

<mosaic_0001>
#map = affine_map<(d0, d1) -> (0, 0)>
#map1 = affine_map<(d0, d1) -> (0, 0, 0)>
module attributes {stable_mosaic.version = 14 : i64} {
  func.func @k(%arg0: i32, %arg1: i32, %arg2: memref<100000x128xf32, #tpu.memory_space<hbm>>, %arg3: memref<50x4096xi32, #tpu.memory_space<hbm>>, %arg4: memref<50x4096x128xf32, #tpu.memory_space<hbm>>, %arg5: memref<50x128xi32, #tpu.memory_space<vmem>>, %arg6: memref<5x128x128xf32, #tpu.memory_space<vmem>>, %arg7: memref<!tpu.dma_semaphore, #tpu.memory_space<semaphore_mem>>, %arg8: memref<!tpu.dma_semaphore, #tpu.memory_space<semaphore_mem>>) attributes {dimension_semantics = [#tpu.dimension_semantics<core_parallel>, #tpu.dimension_semantics<subcore_parallel>], iteration_bounds = array<i64: 2, 16>, scalar_prefetch = 0 : i64, scratch_operands = 4 : i64, tpu.core_type = #tpu.core_type<sc_vector_subcore>, window_params = [{transform_indices = #map}, {transform_indices = #map}, {transform_indices = #map1}]} {
    %mul3A = arith.constant 2 : i32
    %mul3A_0 = arith.muli %arg1, %mul3A : i32
    %add3A = arith.addi %mul3A_0, %arg0 : i32
    %mul3A_1 = arith.constant 128 : i32
    %mul3A_2 = arith.muli %add3A, %mul3A_1 : i32
    "tpu.region"() ({
      %run_scoped3A = tpu.sem_alloc : memref<!tpu.dma_semaphore, #tpu.memory_space<semaphore_mem>>
      %dma_start3A_75 = arith.constant 0 : i32
      %dma_start3A_76 = tpu.memref_slice %arg3[%dma_start3A_75, %mul3A_2] : memref<50x4096xi32, #tpu.memory_space<hbm>> -> memref<50x128xi32, #tpu.memory_space<hbm>>
      %dma_start3A_77 = arith.constant 0 : i32
      %dma_start3A_78 = tpu.memref_slice %arg3[%dma_start3A_77, %mul3A_2] : memref<50x4096xi32, #tpu.memory_space<hbm>> -> memref<50x128xi32, #tpu.memory_space<hbm>>
      tpu.enqueue_dma source(%dma_start3A_78 : memref<50x128xi32, #tpu.memory_space<hbm>>) target(%arg5 : memref<50x128xi32, #tpu.memory_space<vmem>>) target_semaphore(%run_scoped3A : memref<!tpu.dma_semaphore, #tpu.memory_space<semaphore_mem>>)
      %dma_wait3A_79 = arith.constant 0 : i32
      %dma_wait3A_80 = tpu.memref_slice %arg3[%dma_wait3A_79, %mul3A_2] : memref<50x4096xi32, #tpu.memory_space<hbm>> -> memref<50x128xi32, #tpu.memory_space<hbm>>
      %dma_wait3A_81 = arith.constant 0 : i32
      %dma_wait3A_82 = tpu.memref_slice %arg3[%dma_wait3A_81, %mul3A_2] : memref<50x4096xi32, #tpu.memory_space<hbm>> -> memref<50x128xi32, #tpu.memory_space<hbm>>
      tpu.wait_dma2 semaphore(%run_scoped3A : memref<!tpu.dma_semaphore, #tpu.memory_space<semaphore_mem>>) src(%dma_wait3A_82 : memref<50x128xi32, #tpu.memory_space<hbm>>) dst(%arg5 : memref<50x128xi32, #tpu.memory_space<vmem>>)
      tpu.yield
    }) : () -> ()
    %dma_start3A = arith.constant 0 : i32
    %dma_start3A_3 = arith.constant 0 : i32
    %dma_start3A_4 = arith.constant 0 : i32
    %dma_start3A_5 = arith.constant 0 : i32
    %dma_start3A_6 = tpu.memref_slice %arg6[%dma_start3A_3, %dma_start3A_4, %dma_start3A_5] : memref<5x128x128xf32, #tpu.memory_space<vmem>> -> memref<1x128x128xf32, #tpu.memory_space<vmem>>
    %dma_start3A_7 = tpu.memref_squeeze %dma_start3A_6 : memref<1x128x128xf32, #tpu.memory_space<vmem>> -> memref<128x128xf32, #tpu.memory_space<vmem>>
    %dma_start3A_8 = arith.constant 0 : i32
    %dma_start3A_9 = tpu.memref_slice %arg5[%dma_start3A, %dma_start3A_8] : memref<50x128xi32, #tpu.memory_space<vmem>> -> memref<1x128xi32, #tpu.memory_space<vmem>>
    %dma_start3A_10 = tpu.memref_squeeze %dma_start3A_9 : memref<1x128xi32, #tpu.memory_space<vmem>> -> memref<128xi32, #tpu.memory_space<vmem>>
    %dma_start3A_11 = arith.constant 0 : i32
    %dma_start3A_12 = arith.constant 0 : i32
    %dma_start3A_13 = tpu.memref_slice %arg2[%dma_start3A_11, %dma_start3A_12] : memref<100000x128xf32, #tpu.memory_space<hbm>> -> memref<100000x128xf32, #tpu.memory_space<hbm>>
    tpu.enqueue_indirect_dma source(%dma_start3A_13 : memref<100000x128xf32, #tpu.memory_space<hbm>>) target(%dma_start3A_7 : memref<128x128xf32, #tpu.memory_space<vmem>>) offsets(%dma_start3A_10 : memref<128xi32, #tpu.memory_space<vmem>>) semaphore(%arg7 : memref<!tpu.dma_semaphore, #tpu.memory_space<semaphore_mem>>)
    %dma_start3A_14 = arith.constant 1 : i32
    %dma_start3A_15 = arith.constant 1 : i32
    %dma_start3A_16 = arith.constant 0 : i32
    %dma_start3A_17 = arith.constant 0 : i32
    %dma_start3A_18 = tpu.memref_slice %arg6[%dma_start3A_15, %dma_start3A_16, %dma_start3A_17] : memref<5x128x128xf32, #tpu.memory_space<vmem>> -> memref<1x128x128xf32, #tpu.memory_space<vmem>>
    %dma_start3A_19 = tpu.memref_squeeze %dma_start3A_18 : memref<1x128x128xf32, #tpu.memory_space<vmem>> -> memref<128x128xf32, #tpu.memory_space<vmem>>
    %dma_start3A_20 = arith.constant 0 : i32
    %dma_start3A_21 = tpu.memref_slice %arg5[%dma_start3A_14, %dma_start3A_20] : memref<50x128xi32, #tpu.memory_space<vmem>> -> memref<1x128xi32, #tpu.memory_space<vmem>>
    %dma_start3A_22 = tpu.memref_squeeze %dma_start3A_21 : memref<1x128xi32, #tpu.memory_space<vmem>> -> memref<128xi32, #tpu.memory_space<vmem>>
    %dma_start3A_23 = arith.constant 0 : i32
    %dma_start3A_24 = arith.constant 0 : i32
    %dma_start3A_25 = tpu.memref_slice %arg2[%dma_start3A_23, %dma_start3A_24] : memref<100000x128xf32, #tpu.memory_space<hbm>> -> memref<100000x128xf32, #tpu.memory_space<hbm>>
    tpu.enqueue_indirect_dma source(%dma_start3A_25 : memref<100000x128xf32, #tpu.memory_space<hbm>>) target(%dma_start3A_19 : memref<128x128xf32, #tpu.memory_space<vmem>>) offsets(%dma_start3A_22 : memref<128xi32, #tpu.memory_space<vmem>>) semaphore(%arg7 : memref<!tpu.dma_semaphore, #tpu.memory_space<semaphore_mem>>)
    %dma_start3A_26 = arith.constant 2 : i32
    %dma_start3A_27 = arith.constant 2 : i32
    %dma_start3A_28 = arith.constant 0 : i32
    %dma_start3A_29 = arith.constant 0 : i32
    %dma_start3A_30 = tpu.memref_slice %arg6[%dma_start3A_27, %dma_start3A_28, %dma_start3A_29] : memref<5x128x128xf32, #tpu.memory_space<vmem>> -> memref<1x128x128xf32, #tpu.memory_space<vmem>>
    %dma_start3A_31 = tpu.memref_squeeze %dma_start3A_30 : memref<1x128x128xf32, #tpu.memory_space<vmem>> -> memref<128x128xf32, #tpu.memory_space<vmem>>
    %dma_start3A_32 = arith.constant 0 : i32
    %dma_start3A_33 = tpu.memref_slice %arg5[%dma_start3A_26, %dma_start3A_32] : memref<50x128xi32, #tpu.memory_space<vmem>> -> memref<1x128xi32, #tpu.memory_space<vmem>>
    %dma_start3A_34 = tpu.memref_squeeze %dma_start3A_33 : memref<1x128xi32, #tpu.memory_space<vmem>> -> memref<128xi32, #tpu.memory_space<vmem>>
    %dma_start3A_35 = arith.constant 0 : i32
    %dma_start3A_36 = arith.constant 0 : i32
    %dma_start3A_37 = tpu.memref_slice %arg2[%dma_start3A_35, %dma_start3A_36] : memref<100000x128xf32, #tpu.memory_space<hbm>> -> memref<100000x128xf32, #tpu.memory_space<hbm>>
    tpu.enqueue_indirect_dma source(%dma_start3A_37 : memref<100000x128xf32, #tpu.memory_space<hbm>>) target(%dma_start3A_31 : memref<128x128xf32, #tpu.memory_space<vmem>>) offsets(%dma_start3A_34 : memref<128xi32, #tpu.memory_space<vmem>>) semaphore(%arg7 : memref<!tpu.dma_semaphore, #tpu.memory_space<semaphore_mem>>)
    %scan3A = arith.constant 0 : i32
    %scan3A_38 = arith.constant 0 : i32
    %scan3A_39 = arith.constant 10 : i32
    %scan3A_40 = arith.addi %scan3A_38, %scan3A_39 : i32
    %scan3A_41 = arith.constant 1 : i32
    %scan3A_42 = scf.for %scan3A_75 = %scan3A_38 to %scan3A_40 step %scan3A_41 iter_args(%scan3A_76 = %scan3A) -> (i32)  : i32 {
      %mul3A_77 = arith.constant 5 : i32
      %mul3A_78 = arith.muli %mul3A_77, %scan3A_75 : i32
      %add3A_79 = arith.constant 0 : i32
      %add3A_80 = arith.addi %mul3A_78, %add3A_79 : i32
      %ge3A = arith.constant 2 : i32
      %ge3A_81 = arith.cmpi sge, %add3A_80, %ge3A : i32
      %convert_element_type3A = arith.extui %ge3A_81 : i1 to i32
      %cond3A = arith.constant 0 : i32
      %cond3A_82 = arith.cmpi ne, %convert_element_type3A, %cond3A : i32
      scf.if %cond3A_82 {
        %dma_wait3A_298 = arith.constant 3 : i32
        %dma_wait3A_299 = arith.constant 0 : i32
        %dma_wait3A_300 = arith.constant 0 : i32
        %dma_wait3A_301 = arith.constant 0 : i32
        %dma_wait3A_302 = tpu.memref_slice %arg6[%dma_wait3A_298, %dma_wait3A_300, %dma_wait3A_301] : memref<5x128x128xf32, #tpu.memory_space<vmem>> -> memref<1x128x128xf32, #tpu.memory_space<vmem>>
        %dma_wait3A_303 = tpu.memref_squeeze %dma_wait3A_302 : memref<1x128x128xf32, #tpu.memory_space<vmem>> -> memref<128x128xf32, #tpu.memory_space<vmem>>
        %dma_wait3A_304 = arith.constant 0 : i32
        %dma_wait3A_305 = tpu.memref_slice %arg4[%dma_wait3A_299, %mul3A_2, %dma_wait3A_304] : memref<50x4096x128xf32, #tpu.memory_space<hbm>> -> memref<1x128x128xf32, #tpu.memory_space<hbm>>
        %dma_wait3A_306 = tpu.memref_squeeze %dma_wait3A_305 : memref<1x128x128xf32, #tpu.memory_space<hbm>> -> memref<128x128xf32, #tpu.memory_space<hbm>>
        %dma_wait3A_307 = arith.constant 0 : i32
        %dma_wait3A_308 = tpu.memref_slice %arg4[%dma_wait3A_299, %mul3A_2, %dma_wait3A_307] : memref<50x4096x128xf32, #tpu.memory_space<hbm>> -> memref<1x128x128xf32, #tpu.memory_space<hbm>>
        %dma_wait3A_309 = tpu.memref_squeeze %dma_wait3A_308 : memref<1x128x128xf32, #tpu.memory_space<hbm>> -> memref<128x128xf32, #tpu.memory_space<hbm>>
        %dma_wait3A_310 = arith.constant 0 : i32
        %dma_wait3A_311 = arith.constant 0 : i32
        %dma_wait3A_312 = tpu.memref_slice %arg6[%dma_wait3A_298, %dma_wait3A_310, %dma_wait3A_311] : memref<5x128x128xf32, #tpu.memory_space<vmem>> -> memref<1x128x128xf32, #tpu.memory_space<vmem>>
        %dma_wait3A_313 = tpu.memref_squeeze %dma_wait3A_312 : memref<1x128x128xf32, #tpu.memory_space<vmem>> -> memref<128x128xf32, #tpu.memory_space<vmem>>
        tpu.wait_dma2 semaphore(%arg8 : memref<!tpu.dma_semaphore, #tpu.memory_space<semaphore_mem>>) src(%dma_wait3A_313 : memref<128x128xf32, #tpu.memory_space<vmem>>) dst(%dma_wait3A_309 : memref<128x128xf32, #tpu.memory_space<hbm>>)
      } else {
      }
      %add3A_83 = arith.constant 3 : i32
      %add3A_84 = arith.addi %add3A_80, %add3A_83 : i32
      %lt3A = arith.constant 50 : i32
      %lt3A_85 = arith.cmpi slt, %add3A_84, %lt3A : i32
      %convert_element_type3A_86 = arith.extui %lt3A_85 : i1 to i32
      %cond3A_87 = arith.constant 0 : i32
      %cond3A_88 = arith.cmpi ne, %convert_element_type3A_86, %cond3A_87 : i32
      scf.if %cond3A_88 {
        %add3A_298 = arith.constant 3 : i32
        %add3A_299 = arith.addi %add3A_80, %add3A_298 : i32
        %dma_start3A_300 = arith.constant 3 : i32
        %dma_start3A_301 = arith.constant 0 : i32
        %dma_start3A_302 = arith.constant 0 : i32
        %dma_start3A_303 = tpu.memref_slice %arg6[%dma_start3A_300, %dma_start3A_301, %dma_start3A_302] : memref<5x128x128xf32, #tpu.memory_space<vmem>> -> memref<1x128x128xf32, #tpu.memory_space<vmem>>
        %dma_start3A_304 = tpu.memref_squeeze %dma_start3A_303 : memref<1x128x128xf32, #tpu.memory_space<vmem>> -> memref<128x128xf32, #tpu.memory_space<vmem>>
        %dma_start3A_305 = arith.constant 0 : i32
        %dma_start3A_306 = tpu.memref_slice %arg5[%add3A_299, %dma_start3A_305] : memref<50x128xi32, #tpu.memory_space<vmem>> -> memref<1x128xi32, #tpu.memory_space<vmem>>
        %dma_start3A_307 = tpu.memref_squeeze %dma_start3A_306 : memref<1x128xi32, #tpu.memory_space<vmem>> -> memref<128xi32, #tpu.memory_space<vmem>>
        %dma_start3A_308 = arith.constant 0 : i32
        %dma_start3A_309 = arith.constant 0 : i32
        %dma_start3A_310 = tpu.memref_slice %arg2[%dma_start3A_308, %dma_start3A_309] : memref<100000x128xf32, #tpu.memory_space<hbm>> -> memref<100000x128xf32, #tpu.memory_space<hbm>>
        tpu.enqueue_indirect_dma source(%dma_start3A_310 : memref<100000x128xf32, #tpu.memory_space<hbm>>) target(%dma_start3A_304 : memref<128x128xf32, #tpu.memory_space<vmem>>) offsets(%dma_start3A_307 : memref<128xi32, #tpu.memory_space<vmem>>) semaphore(%arg7 : memref<!tpu.dma_semaphore, #tpu.memory_space<semaphore_mem>>)
      } else {
      }
      %dma_wait3A_89 = arith.constant 0 : i32
      %dma_wait3A_90 = arith.constant 0 : i32
      %dma_wait3A_91 = arith.constant 0 : i32
      %dma_wait3A_92 = tpu.memref_slice %arg6[%dma_wait3A_89, %dma_wait3A_90, %dma_wait3A_91] : memref<5x128x128xf32, #tpu.memory_space<vmem>> -> memref<1x128x128xf32, #tpu.memory_space<vmem>>
      %dma_wait3A_93 = tpu.memref_squeeze %dma_wait3A_92 : memref<1x128x128xf32, #tpu.memory_space<vmem>> -> memref<128x128xf32, #tpu.memory_space<vmem>>
      %dma_wait3A_94 = arith.constant 0 : i32
      %dma_wait3A_95 = tpu.memref_slice %arg5[%add3A_80, %dma_wait3A_94] : memref<50x128xi32, #tpu.memory_space<vmem>> -> memref<1x128xi32, #tpu.memory_space<vmem>>
      %dma_wait3A_96 = tpu.memref_squeeze %dma_wait3A_95 : memref<1x128xi32, #tpu.memory_space<vmem>> -> memref<128xi32, #tpu.memory_space<vmem>>
      %dma_wait3A_97 = arith.constant 0 : i32
      %dma_wait3A_98 = arith.constant 0 : i32
      %dma_wait3A_99 = tpu.memref_slice %arg2[%dma_wait3A_97, %dma_wait3A_98] : memref<100000x128xf32, #tpu.memory_space<hbm>> -> memref<100000x128xf32, #tpu.memory_space<hbm>>
      tpu.wait_indirect_dma semaphore(%arg7 : memref<!tpu.dma_semaphore, #tpu.memory_space<semaphore_mem>>) src(%dma_wait3A_99 : memref<100000x128xf32, #tpu.memory_space<hbm>>) dst(%dma_wait3A_93 : memref<128x128xf32, #tpu.memory_space<vmem>>)
      %parallel_loop3A = arith.constant 0 : i32
      %parallel_loop3A_100 = arith.constant 1024 : i32
      %parallel_loop3A_101 = arith.constant 1 : i32
      scf.for %parallel_loop3A_298 = %parallel_loop3A to %parallel_loop3A_100 step %parallel_loop3A_101  : i32 {
        %parallel_loop3A_299 = arith.constant 3 : i32
        %parallel_loop3A_300 = arith.shrui %parallel_loop3A_298, %parallel_loop3A_299 : i32
        %parallel_loop3A_301 = arith.constant 7 : i32
        %parallel_loop3A_302 = arith.andi %parallel_loop3A_298, %parallel_loop3A_301 : i32
        %parallel_loop3A_303 = arith.constant 4 : i32
        %parallel_loop3A_304 = arith.shli %parallel_loop3A_302, %parallel_loop3A_303 : i32
        %parallel_loop3A_305 = arith.constant 0 : i32
        %parallel_loop3A_306 = arith.index_cast %parallel_loop3A_305 : i32 to index
        %parallel_loop3A_307 = arith.index_cast %parallel_loop3A_300 : i32 to index
        %parallel_loop3A_308 = arith.index_cast %parallel_loop3A_304 : i32 to index
        %parallel_loop3A_309 = tpu.vector_load %arg6[%parallel_loop3A_306, %parallel_loop3A_307, %parallel_loop3A_308] {strides = array<i32>} : memref<5x128x128xf32, #tpu.memory_space<vmem>>, vector<1x1x16xf32>,
        %parallel_loop3A_310 = vector.shape_cast %parallel_loop3A_309 : vector<1x1x16xf32> to vector<16xf32>
        %parallel_loop3A_311 = arith.constant 11.3137083 : f32
        %parallel_loop3A_312 = vector.broadcast %parallel_loop3A_311 : f32 to vector<16xf32>
        %parallel_loop3A_313 = arith.mulf %parallel_loop3A_310, %parallel_loop3A_312 : vector<16xf32>
        %parallel_loop3A_314 = arith.constant 0 : i32
        %parallel_loop3A_315 = arith.index_cast %parallel_loop3A_314 : i32 to index
        %parallel_loop3A_316 = arith.index_cast %parallel_loop3A_300 : i32 to index
        %parallel_loop3A_317 = arith.index_cast %parallel_loop3A_304 : i32 to index
        %parallel_loop3A_318 = tpu.vector_load %arg6[%parallel_loop3A_315, %parallel_loop3A_316, %parallel_loop3A_317] {strides = array<i32>} : memref<5x128x128xf32, #tpu.memory_space<vmem>>, vector<1x1x16xf32>,
        %parallel_loop3A_319 = vector.shape_cast %parallel_loop3A_318 : vector<1x1x16xf32> to vector<16xf32>
        %parallel_loop3A_320 = vector.shape_cast %parallel_loop3A_313 : vector<16xf32> to vector<1x1x16xf32>
        tpu.vector_store %arg6[%parallel_loop3A_315, %parallel_loop3A_316, %parallel_loop3A_317], %parallel_loop3A_320 {strides = array<i32>} : memref<5x128x128xf32, #tpu.memory_space<vmem>>, vector<1x1x16xf32>,
      } {sc.loop_unroll_factor = 8 : i64, sc.parallel_access}
      %dma_start3A_102 = arith.constant 0 : i32
      %dma_start3A_103 = arith.constant 0 : i32
      %dma_start3A_104 = arith.constant 0 : i32
      %dma_start3A_105 = tpu.memref_slice %arg6[%dma_start3A_102, %dma_start3A_103, %dma_start3A_104] : memref<5x128x128xf32, #tpu.memory_space<vmem>> -> memref<1x128x128xf32, #tpu.memory_space<vmem>>
      %dma_start3A_106 = tpu.memref_squeeze %dma_start3A_105 : memref<1x128x128xf32, #tpu.memory_space<vmem>> -> memref<128x128xf32, #tpu.memory_space<vmem>>
      %dma_start3A_107 = arith.constant 0 : i32
      %dma_start3A_108 = tpu.memref_slice %arg4[%add3A_80, %mul3A_2, %dma_start3A_107] : memref<50x4096x128xf32, #tpu.memory_space<hbm>> -> memref<1x128x128xf32, #tpu.memory_space<hbm>>
      %dma_start3A_109 = tpu.memref_squeeze %dma_start3A_108 : memref<1x128x128xf32, #tpu.memory_space<hbm>> -> memref<128x128xf32, #tpu.memory_space<hbm>>
      %dma_start3A_110 = arith.constant 0 : i32
      %dma_start3A_111 = tpu.memref_slice %arg4[%add3A_80, %mul3A_2, %dma_start3A_110] : memref<50x4096x128xf32, #tpu.memory_space<hbm>> -> memref<1x128x128xf32, #tpu.memory_space<hbm>>
      %dma_start3A_112 = tpu.memref_squeeze %dma_start3A_111 : memref<1x128x128xf32, #tpu.memory_space<hbm>> -> memref<128x128xf32, #tpu.memory_space<hbm>>
      %dma_start3A_113 = arith.constant 0 : i32
      %dma_start3A_114 = arith.constant 0 : i32
      %dma_start3A_115 = tpu.memref_slice %arg6[%dma_start3A_102, %dma_start3A_113, %dma_start3A_114] : memref<5x128x128xf32, #tpu.memory_space<vmem>> -> memref<1x128x128xf32, #tpu.memory_space<vmem>>
      %dma_start3A_116 = tpu.memref_squeeze %dma_start3A_115 : memref<1x128x128xf32, #tpu.memory_space<vmem>> -> memref<128x128xf32, #tpu.memory_space<vmem>>
      tpu.enqueue_dma source(%dma_start3A_116 : memref<128x128xf32, #tpu.memory_space<vmem>>) target(%dma_start3A_112 : memref<128x128xf32, #tpu.memory_space<hbm>>) target_semaphore(%arg8 : memref<!tpu.dma_semaphore, #tpu.memory_space<semaphore_mem>>)
      %mul3A_117 = arith.constant 5 : i32
      %mul3A_118 = arith.muli %mul3A_117, %scan3A_75 : i32
      %add3A_119 = arith.constant 1 : i32
      %add3A_120 = arith.addi %mul3A_118, %add3A_119 : i32
      %ge3A_121 = arith.constant 2 : i32
      %ge3A_122 = arith.cmpi sge, %add3A_120, %ge3A_121 : i32
      %convert_element_type3A_123 = arith.extui %ge3A_122 : i1 to i32
      %cond3A_124 = arith.constant 0 : i32
      %cond3A_125 = arith.cmpi ne, %convert_element_type3A_123, %cond3A_124 : i32
      scf.if %cond3A_125 {
        %dma_wait3A_298 = arith.constant 4 : i32
        %dma_wait3A_299 = arith.constant 0 : i32
        %dma_wait3A_300 = arith.constant 0 : i32
        %dma_wait3A_301 = arith.constant 0 : i32
        %dma_wait3A_302 = tpu.memref_slice %arg6[%dma_wait3A_298, %dma_wait3A_300, %dma_wait3A_301] : memref<5x128x128xf32, #tpu.memory_space<vmem>> -> memref<1x128x128xf32, #tpu.memory_space<vmem>>
        %dma_wait3A_303 = tpu.memref_squeeze %dma_wait3A_302 : memref<1x128x128xf32, #tpu.memory_space<vmem>> -> memref<128x128xf32, #tpu.memory_space<vmem>>
        %dma_wait3A_304 = arith.constant 0 : i32
        %dma_wait3A_305 = tpu.memref_slice %arg4[%dma_wait3A_299, %mul3A_2, %dma_wait3A_304] : memref<50x4096x128xf32, #tpu.memory_space<hbm>> -> memref<1x128x128xf32, #tpu.memory_space<hbm>>
        %dma_wait3A_306 = tpu.memref_squeeze %dma_wait3A_305 : memref<1x128x128xf32, #tpu.memory_space<hbm>> -> memref<128x128xf32, #tpu.memory_space<hbm>>
        %dma_wait3A_307 = arith.constant 0 : i32
        %dma_wait3A_308 = tpu.memref_slice %arg4[%dma_wait3A_299, %mul3A_2, %dma_wait3A_307] : memref<50x4096x128xf32, #tpu.memory_space<hbm>> -> memref<1x128x128xf32, #tpu.memory_space<hbm>>
        %dma_wait3A_309 = tpu.memref_squeeze %dma_wait3A_308 : memref<1x128x128xf32, #tpu.memory_space<hbm>> -> memref<128x128xf32, #tpu.memory_space<hbm>>
        %dma_wait3A_310 = arith.constant 0 : i32
        %dma_wait3A_311 = arith.constant 0 : i32
        %dma_wait3A_312 = tpu.memref_slice %arg6[%dma_wait3A_298, %dma_wait3A_310, %dma_wait3A_311] : memref<5x128x128xf32, #tpu.memory_space<vmem>> -> memref<1x128x128xf32, #tpu.memory_space<vmem>>
        %dma_wait3A_313 = tpu.memref_squeeze %dma_wait3A_312 : memref<1x128x128xf32, #tpu.memory_space<vmem>> -> memref<128x128xf32, #tpu.memory_space<vmem>>
        tpu.wait_dma2 semaphore(%arg8 : memref<!tpu.dma_semaphore, #tpu.memory_space<semaphore_mem>>) src(%dma_wait3A_313 : memref<128x128xf32, #tpu.memory_space<vmem>>) dst(%dma_wait3A_309 : memref<128x128xf32, #tpu.memory_space<hbm>>)
      } else {
      }
      %add3A_126 = arith.constant 3 : i32
      %add3A_127 = arith.addi %add3A_120, %add3A_126 : i32
      %lt3A_128 = arith.constant 50 : i32
      %lt3A_129 = arith.cmpi slt, %add3A_127, %lt3A_128 : i32
      %convert_element_type3A_130 = arith.extui %lt3A_129 : i1 to i32
      %cond3A_131 = arith.constant 0 : i32
      %cond3A_132 = arith.cmpi ne, %convert_element_type3A_130, %cond3A_131 : i32
      scf.if %cond3A_132 {
        %add3A_298 = arith.constant 3 : i32
        %add3A_299 = arith.addi %add3A_120, %add3A_298 : i32
        %dma_start3A_300 = arith.constant 4 : i32
        %dma_start3A_301 = arith.constant 0 : i32
        %dma_start3A_302 = arith.constant 0 : i32
        %dma_start3A_303 = tpu.memref_slice %arg6[%dma_start3A_300, %dma_start3A_301, %dma_start3A_302] : memref<5x128x128xf32, #tpu.memory_space<vmem>> -> memref<1x128x128xf32, #tpu.memory_space<vmem>>
        %dma_start3A_304 = tpu.memref_squeeze %dma_start3A_303 : memref<1x128x128xf32, #tpu.memory_space<vmem>> -> memref<128x128xf32, #tpu.memory_space<vmem>>
        %dma_start3A_305 = arith.constant 0 : i32
        %dma_start3A_306 = tpu.memref_slice %arg5[%add3A_299, %dma_start3A_305] : memref<50x128xi32, #tpu.memory_space<vmem>> -> memref<1x128xi32, #tpu.memory_space<vmem>>
        %dma_start3A_307 = tpu.memref_squeeze %dma_start3A_306 : memref<1x128xi32, #tpu.memory_space<vmem>> -> memref<128xi32, #tpu.memory_space<vmem>>
        %dma_start3A_308 = arith.constant 0 : i32
        %dma_start3A_309 = arith.constant 0 : i32
        %dma_start3A_310 = tpu.memref_slice %arg2[%dma_start3A_308, %dma_start3A_309] : memref<100000x128xf32, #tpu.memory_space<hbm>> -> memref<100000x128xf32, #tpu.memory_space<hbm>>
        tpu.enqueue_indirect_dma source(%dma_start3A_310 : memref<100000x128xf32, #tpu.memory_space<hbm>>) target(%dma_start3A_304 : memref<128x128xf32, #tpu.memory_space<vmem>>) offsets(%dma_start3A_307 : memref<128xi32, #tpu.memory_space<vmem>>) semaphore(%arg7 : memref<!tpu.dma_semaphore, #tpu.memory_space<semaphore_mem>>)
      } else {
      }
      %dma_wait3A_133 = arith.constant 1 : i32
      %dma_wait3A_134 = arith.constant 0 : i32
      %dma_wait3A_135 = arith.constant 0 : i32
      %dma_wait3A_136 = tpu.memref_slice %arg6[%dma_wait3A_133, %dma_wait3A_134, %dma_wait3A_135] : memref<5x128x128xf32, #tpu.memory_space<vmem>> -> memref<1x128x128xf32, #tpu.memory_space<vmem>>
      %dma_wait3A_137 = tpu.memref_squeeze %dma_wait3A_136 : memref<1x128x128xf32, #tpu.memory_space<vmem>> -> memref<128x128xf32, #tpu.memory_space<vmem>>
      %dma_wait3A_138 = arith.constant 0 : i32
      %dma_wait3A_139 = tpu.memref_slice %arg5[%add3A_120, %dma_wait3A_138] : memref<50x128xi32, #tpu.memory_space<vmem>> -> memref<1x128xi32, #tpu.memory_space<vmem>>
      %dma_wait3A_140 = tpu.memref_squeeze %dma_wait3A_139 : memref<1x128xi32, #tpu.memory_space<vmem>> -> memref<128xi32, #tpu.memory_space<vmem>>
      %dma_wait3A_141 = arith.constant 0 : i32
      %dma_wait3A_142 = arith.constant 0 : i32
      %dma_wait3A_143 = tpu.memref_slice %arg2[%dma_wait3A_141, %dma_wait3A_142] : memref<100000x128xf32, #tpu.memory_space<hbm>> -> memref<100000x128xf32, #tpu.memory_space<hbm>>
      tpu.wait_indirect_dma semaphore(%arg7 : memref<!tpu.dma_semaphore, #tpu.memory_space<semaphore_mem>>) src(%dma_wait3A_143 : memref<100000x128xf32, #tpu.memory_space<hbm>>) dst(%dma_wait3A_137 : memref<128x128xf32, #tpu.memory_space<vmem>>)
      %parallel_loop3A_144 = arith.constant 0 : i32
      %parallel_loop3A_145 = arith.constant 1024 : i32
      %parallel_loop3A_146 = arith.constant 1 : i32
      scf.for %parallel_loop3A_298 = %parallel_loop3A_144 to %parallel_loop3A_145 step %parallel_loop3A_146  : i32 {
        %parallel_loop3A_299 = arith.constant 3 : i32
        %parallel_loop3A_300 = arith.shrui %parallel_loop3A_298, %parallel_loop3A_299 : i32
        %parallel_loop3A_301 = arith.constant 7 : i32
        %parallel_loop3A_302 = arith.andi %parallel_loop3A_298, %parallel_loop3A_301 : i32
        %parallel_loop3A_303 = arith.constant 4 : i32
        %parallel_loop3A_304 = arith.shli %parallel_loop3A_302, %parallel_loop3A_303 : i32
        %parallel_loop3A_305 = arith.constant 1 : i32
        %parallel_loop3A_306 = arith.index_cast %parallel_loop3A_305 : i32 to index
        %parallel_loop3A_307 = arith.index_cast %parallel_loop3A_300 : i32 to index
        %parallel_loop3A_308 = arith.index_cast %parallel_loop3A_304 : i32 to index
        %parallel_loop3A_309 = tpu.vector_load %arg6[%parallel_loop3A_306, %parallel_loop3A_307, %parallel_loop3A_308] {strides = array<i32>} : memref<5x128x128xf32, #tpu.memory_space<vmem>>, vector<1x1x16xf32>,
        %parallel_loop3A_310 = vector.shape_cast %parallel_loop3A_309 : vector<1x1x16xf32> to vector<16xf32>
        %parallel_loop3A_311 = arith.constant 11.3137083 : f32
        %parallel_loop3A_312 = vector.broadcast %parallel_loop3A_311 : f32 to vector<16xf32>
        %parallel_loop3A_313 = arith.mulf %parallel_loop3A_310, %parallel_loop3A_312 : vector<16xf32>
        %parallel_loop3A_314 = arith.constant 1 : i32
        %parallel_loop3A_315 = arith.index_cast %parallel_loop3A_314 : i32 to index
        %parallel_loop3A_316 = arith.index_cast %parallel_loop3A_300 : i32 to index
        %parallel_loop3A_317 = arith.index_cast %parallel_loop3A_304 : i32 to index
        %parallel_loop3A_318 = tpu.vector_load %arg6[%parallel_loop3A_315, %parallel_loop3A_316, %parallel_loop3A_317] {strides = array<i32>} : memref<5x128x128xf32, #tpu.memory_space<vmem>>, vector<1x1x16xf32>,
        %parallel_loop3A_319 = vector.shape_cast %parallel_loop3A_318 : vector<1x1x16xf32> to vector<16xf32>
        %parallel_loop3A_320 = vector.shape_cast %parallel_loop3A_313 : vector<16xf32> to vector<1x1x16xf32>
        tpu.vector_store %arg6[%parallel_loop3A_315, %parallel_loop3A_316, %parallel_loop3A_317], %parallel_loop3A_320 {strides = array<i32>} : memref<5x128x128xf32, #tpu.memory_space<vmem>>, vector<1x1x16xf32>,
      } {sc.loop_unroll_factor = 8 : i64, sc.parallel_access}
      %dma_start3A_147 = arith.constant 1 : i32
      %dma_start3A_148 = arith.constant 0 : i32
      %dma_start3A_149 = arith.constant 0 : i32
      %dma_start3A_150 = tpu.memref_slice %arg6[%dma_start3A_147, %dma_start3A_148, %dma_start3A_149] : memref<5x128x128xf32, #tpu.memory_space<vmem>> -> memref<1x128x128xf32, #tpu.memory_space<vmem>>
      %dma_start3A_151 = tpu.memref_squeeze %dma_start3A_150 : memref<1x128x128xf32, #tpu.memory_space<vmem>> -> memref<128x128xf32, #tpu.memory_space<vmem>>
      %dma_start3A_152 = arith.constant 0 : i32
      %dma_start3A_153 = tpu.memref_slice %arg4[%add3A_120, %mul3A_2, %dma_start3A_152] : memref<50x4096x128xf32, #tpu.memory_space<hbm>> -> memref<1x128x128xf32, #tpu.memory_space<hbm>>
      %dma_start3A_154 = tpu.memref_squeeze %dma_start3A_153 : memref<1x128x128xf32, #tpu.memory_space<hbm>> -> memref<128x128xf32, #tpu.memory_space<hbm>>
      %dma_start3A_155 = arith.constant 0 : i32
      %dma_start3A_156 = tpu.memref_slice %arg4[%add3A_120, %mul3A_2, %dma_start3A_155] : memref<50x4096x128xf32, #tpu.memory_space<hbm>> -> memref<1x128x128xf32, #tpu.memory_space<hbm>>
      %dma_start3A_157 = tpu.memref_squeeze %dma_start3A_156 : memref<1x128x128xf32, #tpu.memory_space<hbm>> -> memref<128x128xf32, #tpu.memory_space<hbm>>
      %dma_start3A_158 = arith.constant 0 : i32
      %dma_start3A_159 = arith.constant 0 : i32
      %dma_start3A_160 = tpu.memref_slice %arg6[%dma_start3A_147, %dma_start3A_158, %dma_start3A_159] : memref<5x128x128xf32, #tpu.memory_space<vmem>> -> memref<1x128x128xf32, #tpu.memory_space<vmem>>
      %dma_start3A_161 = tpu.memref_squeeze %dma_start3A_160 : memref<1x128x128xf32, #tpu.memory_space<vmem>> -> memref<128x128xf32, #tpu.memory_space<vmem>>
      tpu.enqueue_dma source(%dma_start3A_161 : memref<128x128xf32, #tpu.memory_space<vmem>>) target(%dma_start3A_157 : memref<128x128xf32, #tpu.memory_space<hbm>>) target_semaphore(%arg8 : memref<!tpu.dma_semaphore, #tpu.memory_space<semaphore_mem>>)
      %mul3A_162 = arith.constant 5 : i32
      %mul3A_163 = arith.muli %mul3A_162, %scan3A_75 : i32
      %add3A_164 = arith.constant 2 : i32
      %add3A_165 = arith.addi %mul3A_163, %add3A_164 : i32
      %ge3A_166 = arith.constant 2 : i32
      %ge3A_167 = arith.cmpi sge, %add3A_165, %ge3A_166 : i32
      %convert_element_type3A_168 = arith.extui %ge3A_167 : i1 to i32
      %cond3A_169 = arith.constant 0 : i32
      %cond3A_170 = arith.cmpi ne, %convert_element_type3A_168, %cond3A_169 : i32
      scf.if %cond3A_170 {
        %dma_wait3A_298 = arith.constant 0 : i32
        %dma_wait3A_299 = arith.constant 0 : i32
        %dma_wait3A_300 = arith.constant 0 : i32
        %dma_wait3A_301 = arith.constant 0 : i32
        %dma_wait3A_302 = tpu.memref_slice %arg6[%dma_wait3A_298, %dma_wait3A_300, %dma_wait3A_301] : memref<5x128x128xf32, #tpu.memory_space<vmem>> -> memref<1x128x128xf32, #tpu.memory_space<vmem>>
        %dma_wait3A_303 = tpu.memref_squeeze %dma_wait3A_302 : memref<1x128x128xf32, #tpu.memory_space<vmem>> -> memref<128x128xf32, #tpu.memory_space<vmem>>
        %dma_wait3A_304 = arith.constant 0 : i32
        %dma_wait3A_305 = tpu.memref_slice %arg4[%dma_wait3A_299, %mul3A_2, %dma_wait3A_304] : memref<50x4096x128xf32, #tpu.memory_space<hbm>> -> memref<1x128x128xf32, #tpu.memory_space<hbm>>
        %dma_wait3A_306 = tpu.memref_squeeze %dma_wait3A_305 : memref<1x128x128xf32, #tpu.memory_space<hbm>> -> memref<128x128xf32, #tpu.memory_space<hbm>>
        %dma_wait3A_307 = arith.constant 0 : i32
        %dma_wait3A_308 = tpu.memref_slice %arg4[%dma_wait3A_299, %mul3A_2, %dma_wait3A_307] : memref<50x4096x128xf32, #tpu.memory_space<hbm>> -> memref<1x128x128xf32, #tpu.memory_space<hbm>>
        %dma_wait3A_309 = tpu.memref_squeeze %dma_wait3A_308 : memref<1x128x128xf32, #tpu.memory_space<hbm>> -> memref<128x128xf32, #tpu.memory_space<hbm>>
        %dma_wait3A_310 = arith.constant 0 : i32
        %dma_wait3A_311 = arith.constant 0 : i32
        %dma_wait3A_312 = tpu.memref_slice %arg6[%dma_wait3A_298, %dma_wait3A_310, %dma_wait3A_311] : memref<5x128x128xf32, #tpu.memory_space<vmem>> -> memref<1x128x128xf32, #tpu.memory_space<vmem>>
        %dma_wait3A_313 = tpu.memref_squeeze %dma_wait3A_312 : memref<1x128x128xf32, #tpu.memory_space<vmem>> -> memref<128x128xf32, #tpu.memory_space<vmem>>
        tpu.wait_dma2 semaphore(%arg8 : memref<!tpu.dma_semaphore, #tpu.memory_space<semaphore_mem>>) src(%dma_wait3A_313 : memref<128x128xf32, #tpu.memory_space<vmem>>) dst(%dma_wait3A_309 : memref<128x128xf32, #tpu.memory_space<hbm>>)
      } else {
      }
      %add3A_171 = arith.constant 3 : i32
      %add3A_172 = arith.addi %add3A_165, %add3A_171 : i32
      %lt3A_173 = arith.constant 50 : i32
      %lt3A_174 = arith.cmpi slt, %add3A_172, %lt3A_173 : i32
      %convert_element_type3A_175 = arith.extui %lt3A_174 : i1 to i32
      %cond3A_176 = arith.constant 0 : i32
      %cond3A_177 = arith.cmpi ne, %convert_element_type3A_175, %cond3A_176 : i32
      scf.if %cond3A_177 {
        %add3A_298 = arith.constant 3 : i32
        %add3A_299 = arith.addi %add3A_165, %add3A_298 : i32
        %dma_start3A_300 = arith.constant 0 : i32
        %dma_start3A_301 = arith.constant 0 : i32
        %dma_start3A_302 = arith.constant 0 : i32
        %dma_start3A_303 = tpu.memref_slice %arg6[%dma_start3A_300, %dma_start3A_301, %dma_start3A_302] : memref<5x128x128xf32, #tpu.memory_space<vmem>> -> memref<1x128x128xf32, #tpu.memory_space<vmem>>
        %dma_start3A_304 = tpu.memref_squeeze %dma_start3A_303 : memref<1x128x128xf32, #tpu.memory_space<vmem>> -> memref<128x128xf32, #tpu.memory_space<vmem>>
        %dma_start3A_305 = arith.constant 0 : i32
        %dma_start3A_306 = tpu.memref_slice %arg5[%add3A_299, %dma_start3A_305] : memref<50x128xi32, #tpu.memory_space<vmem>> -> memref<1x128xi32, #tpu.memory_space<vmem>>
        %dma_start3A_307 = tpu.memref_squeeze %dma_start3A_306 : memref<1x128xi32, #tpu.memory_space<vmem>> -> memref<128xi32, #tpu.memory_space<vmem>>
        %dma_start3A_308 = arith.constant 0 : i32
        %dma_start3A_309 = arith.constant 0 : i32
        %dma_start3A_310 = tpu.memref_slice %arg2[%dma_start3A_308, %dma_start3A_309] : memref<100000x128xf32, #tpu.memory_space<hbm>> -> memref<100000x128xf32, #tpu.memory_space<hbm>>
        tpu.enqueue_indirect_dma source(%dma_start3A_310 : memref<100000x128xf32, #tpu.memory_space<hbm>>) target(%dma_start3A_304 : memref<128x128xf32, #tpu.memory_space<vmem>>) offsets(%dma_start3A_307 : memref<128xi32, #tpu.memory_space<vmem>>) semaphore(%arg7 : memref<!tpu.dma_semaphore, #tpu.memory_space<semaphore_mem>>)
      } else {
      }
      %dma_wait3A_178 = arith.constant 2 : i32
      %dma_wait3A_179 = arith.constant 0 : i32
      %dma_wait3A_180 = arith.constant 0 : i32
      %dma_wait3A_181 = tpu.memref_slice %arg6[%dma_wait3A_178, %dma_wait3A_179, %dma_wait3A_180] : memref<5x128x128xf32, #tpu.memory_space<vmem>> -> memref<1x128x128xf32, #tpu.memory_space<vmem>>
      %dma_wait3A_182 = tpu.memref_squeeze %dma_wait3A_181 : memref<1x128x128xf32, #tpu.memory_space<vmem>> -> memref<128x128xf32, #tpu.memory_space<vmem>>
      %dma_wait3A_183 = arith.constant 0 : i32
      %dma_wait3A_184 = tpu.memref_slice %arg5[%add3A_165, %dma_wait3A_183] : memref<50x128xi32, #tpu.memory_space<vmem>> -> memref<1x128xi32, #tpu.memory_space<vmem>>
      %dma_wait3A_185 = tpu.memref_squeeze %dma_wait3A_184 : memref<1x128xi32, #tpu.memory_space<vmem>> -> memref<128xi32, #tpu.memory_space<vmem>>
      %dma_wait3A_186 = arith.constant 0 : i32
      %dma_wait3A_187 = arith.constant 0 : i32
      %dma_wait3A_188 = tpu.memref_slice %arg2[%dma_wait3A_186, %dma_wait3A_187] : memref<100000x128xf32, #tpu.memory_space<hbm>> -> memref<100000x128xf32, #tpu.memory_space<hbm>>
      tpu.wait_indirect_dma semaphore(%arg7 : memref<!tpu.dma_semaphore, #tpu.memory_space<semaphore_mem>>) src(%dma_wait3A_188 : memref<100000x128xf32, #tpu.memory_space<hbm>>) dst(%dma_wait3A_182 : memref<128x128xf32, #tpu.memory_space<vmem>>)
      %parallel_loop3A_189 = arith.constant 0 : i32
      %parallel_loop3A_190 = arith.constant 1024 : i32
      %parallel_loop3A_191 = arith.constant 1 : i32
      scf.for %parallel_loop3A_298 = %parallel_loop3A_189 to %parallel_loop3A_190 step %parallel_loop3A_191  : i32 {
        %parallel_loop3A_299 = arith.constant 3 : i32
        %parallel_loop3A_300 = arith.shrui %parallel_loop3A_298, %parallel_loop3A_299 : i32
        %parallel_loop3A_301 = arith.constant 7 : i32
        %parallel_loop3A_302 = arith.andi %parallel_loop3A_298, %parallel_loop3A_301 : i32
        %parallel_loop3A_303 = arith.constant 4 : i32
        %parallel_loop3A_304 = arith.shli %parallel_loop3A_302, %parallel_loop3A_303 : i32
        %parallel_loop3A_305 = arith.constant 2 : i32
        %parallel_loop3A_306 = arith.index_cast %parallel_loop3A_305 : i32 to index
        %parallel_loop3A_307 = arith.index_cast %parallel_loop3A_300 : i32 to index
        %parallel_loop3A_308 = arith.index_cast %parallel_loop3A_304 : i32 to index
        %parallel_loop3A_309 = tpu.vector_load %arg6[%parallel_loop3A_306, %parallel_loop3A_307, %parallel_loop3A_308] {strides = array<i32>} : memref<5x128x128xf32, #tpu.memory_space<vmem>>, vector<1x1x16xf32>,
        %parallel_loop3A_310 = vector.shape_cast %parallel_loop3A_309 : vector<1x1x16xf32> to vector<16xf32>
        %parallel_loop3A_311 = arith.constant 11.3137083 : f32
        %parallel_loop3A_312 = vector.broadcast %parallel_loop3A_311 : f32 to vector<16xf32>
        %parallel_loop3A_313 = arith.mulf %parallel_loop3A_310, %parallel_loop3A_312 : vector<16xf32>
        %parallel_loop3A_314 = arith.constant 2 : i32
        %parallel_loop3A_315 = arith.index_cast %parallel_loop3A_314 : i32 to index
        %parallel_loop3A_316 = arith.index_cast %parallel_loop3A_300 : i32 to index
        %parallel_loop3A_317 = arith.index_cast %parallel_loop3A_304 : i32 to index
        %parallel_loop3A_318 = tpu.vector_load %arg6[%parallel_loop3A_315, %parallel_loop3A_316, %parallel_loop3A_317] {strides = array<i32>} : memref<5x128x128xf32, #tpu.memory_space<vmem>>, vector<1x1x16xf32>,
        %parallel_loop3A_319 = vector.shape_cast %parallel_loop3A_318 : vector<1x1x16xf32> to vector<16xf32>
        %parallel_loop3A_320 = vector.shape_cast %parallel_loop3A_313 : vector<16xf32> to vector<1x1x16xf32>
        tpu.vector_store %arg6[%parallel_loop3A_315, %parallel_loop3A_316, %parallel_loop3A_317], %parallel_loop3A_320 {strides = array<i32>} : memref<5x128x128xf32, #tpu.memory_space<vmem>>, vector<1x1x16xf32>,
      } {sc.loop_unroll_factor = 8 : i64, sc.parallel_access}
      %dma_start3A_192 = arith.constant 2 : i32
      %dma_start3A_193 = arith.constant 0 : i32
      %dma_start3A_194 = arith.constant 0 : i32
      %dma_start3A_195 = tpu.memref_slice %arg6[%dma_start3A_192, %dma_start3A_193, %dma_start3A_194] : memref<5x128x128xf32, #tpu.memory_space<vmem>> -> memref<1x128x128xf32, #tpu.memory_space<vmem>>
      %dma_start3A_196 = tpu.memref_squeeze %dma_start3A_195 : memref<1x128x128xf32, #tpu.memory_space<vmem>> -> memref<128x128xf32, #tpu.memory_space<vmem>>
      %dma_start3A_197 = arith.constant 0 : i32
      %dma_start3A_198 = tpu.memref_slice %arg4[%add3A_165, %mul3A_2, %dma_start3A_197] : memref<50x4096x128xf32, #tpu.memory_space<hbm>> -> memref<1x128x128xf32, #tpu.memory_space<hbm>>
      %dma_start3A_199 = tpu.memref_squeeze %dma_start3A_198 : memref<1x128x128xf32, #tpu.memory_space<hbm>> -> memref<128x128xf32, #tpu.memory_space<hbm>>
      %dma_start3A_200 = arith.constant 0 : i32
      %dma_start3A_201 = tpu.memref_slice %arg4[%add3A_165, %mul3A_2, %dma_start3A_200] : memref<50x4096x128xf32, #tpu.memory_space<hbm>> -> memref<1x128x128xf32, #tpu.memory_space<hbm>>
      %dma_start3A_202 = tpu.memref_squeeze %dma_start3A_201 : memref<1x128x128xf32, #tpu.memory_space<hbm>> -> memref<128x128xf32, #tpu.memory_space<hbm>>
      %dma_start3A_203 = arith.constant 0 : i32
      %dma_start3A_204 = arith.constant 0 : i32
      %dma_start3A_205 = tpu.memref_slice %arg6[%dma_start3A_192, %dma_start3A_203, %dma_start3A_204] : memref<5x128x128xf32, #tpu.memory_space<vmem>> -> memref<1x128x128xf32, #tpu.memory_space<vmem>>
      %dma_start3A_206 = tpu.memref_squeeze %dma_start3A_205 : memref<1x128x128xf32, #tpu.memory_space<vmem>> -> memref<128x128xf32, #tpu.memory_space<vmem>>
      tpu.enqueue_dma source(%dma_start3A_206 : memref<128x128xf32, #tpu.memory_space<vmem>>) target(%dma_start3A_202 : memref<128x128xf32, #tpu.memory_space<hbm>>) target_semaphore(%arg8 : memref<!tpu.dma_semaphore, #tpu.memory_space<semaphore_mem>>)
      %mul3A_207 = arith.constant 5 : i32
      %mul3A_208 = arith.muli %mul3A_207, %scan3A_75 : i32
      %add3A_209 = arith.constant 3 : i32
      %add3A_210 = arith.addi %mul3A_208, %add3A_209 : i32
      %ge3A_211 = arith.constant 2 : i32
      %ge3A_212 = arith.cmpi sge, %add3A_210, %ge3A_211 : i32
      %convert_element_type3A_213 = arith.extui %ge3A_212 : i1 to i32
      %cond3A_214 = arith.constant 0 : i32
      %cond3A_215 = arith.cmpi ne, %convert_element_type3A_213, %cond3A_214 : i32
      scf.if %cond3A_215 {
        %dma_wait3A_298 = arith.constant 1 : i32
        %dma_wait3A_299 = arith.constant 0 : i32
        %dma_wait3A_300 = arith.constant 0 : i32
        %dma_wait3A_301 = arith.constant 0 : i32
        %dma_wait3A_302 = tpu.memref_slice %arg6[%dma_wait3A_298, %dma_wait3A_300, %dma_wait3A_301] : memref<5x128x128xf32, #tpu.memory_space<vmem>> -> memref<1x128x128xf32, #tpu.memory_space<vmem>>
        %dma_wait3A_303 = tpu.memref_squeeze %dma_wait3A_302 : memref<1x128x128xf32, #tpu.memory_space<vmem>> -> memref<128x128xf32, #tpu.memory_space<vmem>>
        %dma_wait3A_304 = arith.constant 0 : i32
        %dma_wait3A_305 = tpu.memref_slice %arg4[%dma_wait3A_299, %mul3A_2, %dma_wait3A_304] : memref<50x4096x128xf32, #tpu.memory_space<hbm>> -> memref<1x128x128xf32, #tpu.memory_space<hbm>>
        %dma_wait3A_306 = tpu.memref_squeeze %dma_wait3A_305 : memref<1x128x128xf32, #tpu.memory_space<hbm>> -> memref<128x128xf32, #tpu.memory_space<hbm>>
        %dma_wait3A_307 = arith.constant 0 : i32
        %dma_wait3A_308 = tpu.memref_slice %arg4[%dma_wait3A_299, %mul3A_2, %dma_wait3A_307] : memref<50x4096x128xf32, #tpu.memory_space<hbm>> -> memref<1x128x128xf32, #tpu.memory_space<hbm>>
        %dma_wait3A_309 = tpu.memref_squeeze %dma_wait3A_308 : memref<1x128x128xf32, #tpu.memory_space<hbm>> -> memref<128x128xf32, #tpu.memory_space<hbm>>
        %dma_wait3A_310 = arith.constant 0 : i32
        %dma_wait3A_311 = arith.constant 0 : i32
        %dma_wait3A_312 = tpu.memref_slice %arg6[%dma_wait3A_298, %dma_wait3A_310, %dma_wait3A_311] : memref<5x128x128xf32, #tpu.memory_space<vmem>> -> memref<1x128x128xf32, #tpu.memory_space<vmem>>
        %dma_wait3A_313 = tpu.memref_squeeze %dma_wait3A_312 : memref<1x128x128xf32, #tpu.memory_space<vmem>> -> memref<128x128xf32, #tpu.memory_space<vmem>>
        tpu.wait_dma2 semaphore(%arg8 : memref<!tpu.dma_semaphore, #tpu.memory_space<semaphore_mem>>) src(%dma_wait3A_313 : memref<128x128xf32, #tpu.memory_space<vmem>>) dst(%dma_wait3A_309 : memref<128x128xf32, #tpu.memory_space<hbm>>)
      } else {
      }
      %add3A_216 = arith.constant 3 : i32
      %add3A_217 = arith.addi %add3A_210, %add3A_216 : i32
      %lt3A_218 = arith.constant 50 : i32
      %lt3A_219 = arith.cmpi slt, %add3A_217, %lt3A_218 : i32
      %convert_element_type3A_220 = arith.extui %lt3A_219 : i1 to i32
      %cond3A_221 = arith.constant 0 : i32
      %cond3A_222 = arith.cmpi ne, %convert_element_type3A_220, %cond3A_221 : i32
      scf.if %cond3A_222 {
        %add3A_298 = arith.constant 3 : i32
        %add3A_299 = arith.addi %add3A_210, %add3A_298 : i32
        %dma_start3A_300 = arith.constant 1 : i32
        %dma_start3A_301 = arith.constant 0 : i32
        %dma_start3A_302 = arith.constant 0 : i32
        %dma_start3A_303 = tpu.memref_slice %arg6[%dma_start3A_300, %dma_start3A_301, %dma_start3A_302] : memref<5x128x128xf32, #tpu.memory_space<vmem>> -> memref<1x128x128xf32, #tpu.memory_space<vmem>>
        %dma_start3A_304 = tpu.memref_squeeze %dma_start3A_303 : memref<1x128x128xf32, #tpu.memory_space<vmem>> -> memref<128x128xf32, #tpu.memory_space<vmem>>
        %dma_start3A_305 = arith.constant 0 : i32
        %dma_start3A_306 = tpu.memref_slice %arg5[%add3A_299, %dma_start3A_305] : memref<50x128xi32, #tpu.memory_space<vmem>> -> memref<1x128xi32, #tpu.memory_space<vmem>>
        %dma_start3A_307 = tpu.memref_squeeze %dma_start3A_306 : memref<1x128xi32, #tpu.memory_space<vmem>> -> memref<128xi32, #tpu.memory_space<vmem>>
        %dma_start3A_308 = arith.constant 0 : i32
        %dma_start3A_309 = arith.constant 0 : i32
        %dma_start3A_310 = tpu.memref_slice %arg2[%dma_start3A_308, %dma_start3A_309] : memref<100000x128xf32, #tpu.memory_space<hbm>> -> memref<100000x128xf32, #tpu.memory_space<hbm>>
        tpu.enqueue_indirect_dma source(%dma_start3A_310 : memref<100000x128xf32, #tpu.memory_space<hbm>>) target(%dma_start3A_304 : memref<128x128xf32, #tpu.memory_space<vmem>>) offsets(%dma_start3A_307 : memref<128xi32, #tpu.memory_space<vmem>>) semaphore(%arg7 : memref<!tpu.dma_semaphore, #tpu.memory_space<semaphore_mem>>)
      } else {
      }
      %dma_wait3A_223 = arith.constant 3 : i32
      %dma_wait3A_224 = arith.constant 0 : i32
      %dma_wait3A_225 = arith.constant 0 : i32
      %dma_wait3A_226 = tpu.memref_slice %arg6[%dma_wait3A_223, %dma_wait3A_224, %dma_wait3A_225] : memref<5x128x128xf32, #tpu.memory_space<vmem>> -> memref<1x128x128xf32, #tpu.memory_space<vmem>>
      %dma_wait3A_227 = tpu.memref_squeeze %dma_wait3A_226 : memref<1x128x128xf32, #tpu.memory_space<vmem>> -> memref<128x128xf32, #tpu.memory_space<vmem>>
      %dma_wait3A_228 = arith.constant 0 : i32
      %dma_wait3A_229 = tpu.memref_slice %arg5[%add3A_210, %dma_wait3A_228] : memref<50x128xi32, #tpu.memory_space<vmem>> -> memref<1x128xi32, #tpu.memory_space<vmem>>
      %dma_wait3A_230 = tpu.memref_squeeze %dma_wait3A_229 : memref<1x128xi32, #tpu.memory_space<vmem>> -> memref<128xi32, #tpu.memory_space<vmem>>
      %dma_wait3A_231 = arith.constant 0 : i32
      %dma_wait3A_232 = arith.constant 0 : i32
      %dma_wait3A_233 = tpu.memref_slice %arg2[%dma_wait3A_231, %dma_wait3A_232] : memref<100000x128xf32, #tpu.memory_space<hbm>> -> memref<100000x128xf32, #tpu.memory_space<hbm>>
      tpu.wait_indirect_dma semaphore(%arg7 : memref<!tpu.dma_semaphore, #tpu.memory_space<semaphore_mem>>) src(%dma_wait3A_233 : memref<100000x128xf32, #tpu.memory_space<hbm>>) dst(%dma_wait3A_227 : memref<128x128xf32, #tpu.memory_space<vmem>>)
      %parallel_loop3A_234 = arith.constant 0 : i32
      %parallel_loop3A_235 = arith.constant 1024 : i32
      %parallel_loop3A_236 = arith.constant 1 : i32
      scf.for %parallel_loop3A_298 = %parallel_loop3A_234 to %parallel_loop3A_235 step %parallel_loop3A_236  : i32 {
        %parallel_loop3A_299 = arith.constant 3 : i32
        %parallel_loop3A_300 = arith.shrui %parallel_loop3A_298, %parallel_loop3A_299 : i32
        %parallel_loop3A_301 = arith.constant 7 : i32
        %parallel_loop3A_302 = arith.andi %parallel_loop3A_298, %parallel_loop3A_301 : i32
        %parallel_loop3A_303 = arith.constant 4 : i32
        %parallel_loop3A_304 = arith.shli %parallel_loop3A_302, %parallel_loop3A_303 : i32
        %parallel_loop3A_305 = arith.constant 3 : i32
        %parallel_loop3A_306 = arith.index_cast %parallel_loop3A_305 : i32 to index
        %parallel_loop3A_307 = arith.index_cast %parallel_loop3A_300 : i32 to index
        %parallel_loop3A_308 = arith.index_cast %parallel_loop3A_304 : i32 to index
        %parallel_loop3A_309 = tpu.vector_load %arg6[%parallel_loop3A_306, %parallel_loop3A_307, %parallel_loop3A_308] {strides = array<i32>} : memref<5x128x128xf32, #tpu.memory_space<vmem>>, vector<1x1x16xf32>,
        %parallel_loop3A_310 = vector.shape_cast %parallel_loop3A_309 : vector<1x1x16xf32> to vector<16xf32>
        %parallel_loop3A_311 = arith.constant 11.3137083 : f32
        %parallel_loop3A_312 = vector.broadcast %parallel_loop3A_311 : f32 to vector<16xf32>
        %parallel_loop3A_313 = arith.mulf %parallel_loop3A_310, %parallel_loop3A_312 : vector<16xf32>
        %parallel_loop3A_314 = arith.constant 3 : i32
        %parallel_loop3A_315 = arith.index_cast %parallel_loop3A_314 : i32 to index
        %parallel_loop3A_316 = arith.index_cast %parallel_loop3A_300 : i32 to index
        %parallel_loop3A_317 = arith.index_cast %parallel_loop3A_304 : i32 to index
        %parallel_loop3A_318 = tpu.vector_load %arg6[%parallel_loop3A_315, %parallel_loop3A_316, %parallel_loop3A_317] {strides = array<i32>} : memref<5x128x128xf32, #tpu.memory_space<vmem>>, vector<1x1x16xf32>,
        %parallel_loop3A_319 = vector.shape_cast %parallel_loop3A_318 : vector<1x1x16xf32> to vector<16xf32>
        %parallel_loop3A_320 = vector.shape_cast %parallel_loop3A_313 : vector<16xf32> to vector<1x1x16xf32>
        tpu.vector_store %arg6[%parallel_loop3A_315, %parallel_loop3A_316, %parallel_loop3A_317], %parallel_loop3A_320 {strides = array<i32>} : memref<5x128x128xf32, #tpu.memory_space<vmem>>, vector<1x1x16xf32>,
      } {sc.loop_unroll_factor = 8 : i64, sc.parallel_access}
      %dma_start3A_237 = arith.constant 3 : i32
      %dma_start3A_238 = arith.constant 0 : i32
      %dma_start3A_239 = arith.constant 0 : i32
      %dma_start3A_240 = tpu.memref_slice %arg6[%dma_start3A_237, %dma_start3A_238, %dma_start3A_239] : memref<5x128x128xf32, #tpu.memory_space<vmem>> -> memref<1x128x128xf32, #tpu.memory_space<vmem>>
      %dma_start3A_241 = tpu.memref_squeeze %dma_start3A_240 : memref<1x128x128xf32, #tpu.memory_space<vmem>> -> memref<128x128xf32, #tpu.memory_space<vmem>>
      %dma_start3A_242 = arith.constant 0 : i32
      %dma_start3A_243 = tpu.memref_slice %arg4[%add3A_210, %mul3A_2, %dma_start3A_242] : memref<50x4096x128xf32, #tpu.memory_space<hbm>> -> memref<1x128x128xf32, #tpu.memory_space<hbm>>
      %dma_start3A_244 = tpu.memref_squeeze %dma_start3A_243 : memref<1x128x128xf32, #tpu.memory_space<hbm>> -> memref<128x128xf32, #tpu.memory_space<hbm>>
      %dma_start3A_245 = arith.constant 0 : i32
      %dma_start3A_246 = tpu.memref_slice %arg4[%add3A_210, %mul3A_2, %dma_start3A_245] : memref<50x4096x128xf32, #tpu.memory_space<hbm>> -> memref<1x128x128xf32, #tpu.memory_space<hbm>>
      %dma_start3A_247 = tpu.memref_squeeze %dma_start3A_246 : memref<1x128x128xf32, #tpu.memory_space<hbm>> -> memref<128x128xf32, #tpu.memory_space<hbm>>
      %dma_start3A_248 = arith.constant 0 : i32
      %dma_start3A_249 = arith.constant 0 : i32
      %dma_start3A_250 = tpu.memref_slice %arg6[%dma_start3A_237, %dma_start3A_248, %dma_start3A_249] : memref<5x128x128xf32, #tpu.memory_space<vmem>> -> memref<1x128x128xf32, #tpu.memory_space<vmem>>
      %dma_start3A_251 = tpu.memref_squeeze %dma_start3A_250 : memref<1x128x128xf32, #tpu.memory_space<vmem>> -> memref<128x128xf32, #tpu.memory_space<vmem>>
      tpu.enqueue_dma source(%dma_start3A_251 : memref<128x128xf32, #tpu.memory_space<vmem>>) target(%dma_start3A_247 : memref<128x128xf32, #tpu.memory_space<hbm>>) target_semaphore(%arg8 : memref<!tpu.dma_semaphore, #tpu.memory_space<semaphore_mem>>)
      %mul3A_252 = arith.constant 5 : i32
      %mul3A_253 = arith.muli %mul3A_252, %scan3A_75 : i32
      %add3A_254 = arith.constant 4 : i32
      %add3A_255 = arith.addi %mul3A_253, %add3A_254 : i32
      %ge3A_256 = arith.constant 2 : i32
      %ge3A_257 = arith.cmpi sge, %add3A_255, %ge3A_256 : i32
      %convert_element_type3A_258 = arith.extui %ge3A_257 : i1 to i32
      %cond3A_259 = arith.constant 0 : i32
      %cond3A_260 = arith.cmpi ne, %convert_element_type3A_258, %cond3A_259 : i32
      scf.if %cond3A_260 {
        %dma_wait3A_298 = arith.constant 2 : i32
        %dma_wait3A_299 = arith.constant 0 : i32
        %dma_wait3A_300 = arith.constant 0 : i32
        %dma_wait3A_301 = arith.constant 0 : i32
        %dma_wait3A_302 = tpu.memref_slice %arg6[%dma_wait3A_298, %dma_wait3A_300, %dma_wait3A_301] : memref<5x128x128xf32, #tpu.memory_space<vmem>> -> memref<1x128x128xf32, #tpu.memory_space<vmem>>
        %dma_wait3A_303 = tpu.memref_squeeze %dma_wait3A_302 : memref<1x128x128xf32, #tpu.memory_space<vmem>> -> memref<128x128xf32, #tpu.memory_space<vmem>>
        %dma_wait3A_304 = arith.constant 0 : i32
        %dma_wait3A_305 = tpu.memref_slice %arg4[%dma_wait3A_299, %mul3A_2, %dma_wait3A_304] : memref<50x4096x128xf32, #tpu.memory_space<hbm>> -> memref<1x128x128xf32, #tpu.memory_space<hbm>>
        %dma_wait3A_306 = tpu.memref_squeeze %dma_wait3A_305 : memref<1x128x128xf32, #tpu.memory_space<hbm>> -> memref<128x128xf32, #tpu.memory_space<hbm>>
        %dma_wait3A_307 = arith.constant 0 : i32
        %dma_wait3A_308 = tpu.memref_slice %arg4[%dma_wait3A_299, %mul3A_2, %dma_wait3A_307] : memref<50x4096x128xf32, #tpu.memory_space<hbm>> -> memref<1x128x128xf32, #tpu.memory_space<hbm>>
        %dma_wait3A_309 = tpu.memref_squeeze %dma_wait3A_308 : memref<1x128x128xf32, #tpu.memory_space<hbm>> -> memref<128x128xf32, #tpu.memory_space<hbm>>
        %dma_wait3A_310 = arith.constant 0 : i32
        %dma_wait3A_311 = arith.constant 0 : i32
        %dma_wait3A_312 = tpu.memref_slice %arg6[%dma_wait3A_298, %dma_wait3A_310, %dma_wait3A_311] : memref<5x128x128xf32, #tpu.memory_space<vmem>> -> memref<1x128x128xf32, #tpu.memory_space<vmem>>
        %dma_wait3A_313 = tpu.memref_squeeze %dma_wait3A_312 : memref<1x128x128xf32, #tpu.memory_space<vmem>> -> memref<128x128xf32, #tpu.memory_space<vmem>>
        tpu.wait_dma2 semaphore(%arg8 : memref<!tpu.dma_semaphore, #tpu.memory_space<semaphore_mem>>) src(%dma_wait3A_313 : memref<128x128xf32, #tpu.memory_space<vmem>>) dst(%dma_wait3A_309 : memref<128x128xf32, #tpu.memory_space<hbm>>)
      } else {
      }
      %add3A_261 = arith.constant 3 : i32
      %add3A_262 = arith.addi %add3A_255, %add3A_261 : i32
      %lt3A_263 = arith.constant 50 : i32
      %lt3A_264 = arith.cmpi slt, %add3A_262, %lt3A_263 : i32
      %convert_element_type3A_265 = arith.extui %lt3A_264 : i1 to i32
      %cond3A_266 = arith.constant 0 : i32
      %cond3A_267 = arith.cmpi ne, %convert_element_type3A_265, %cond3A_266 : i32
      scf.if %cond3A_267 {
        %add3A_298 = arith.constant 3 : i32
        %add3A_299 = arith.addi %add3A_255, %add3A_298 : i32
        %dma_start3A_300 = arith.constant 2 : i32
        %dma_start3A_301 = arith.constant 0 : i32
        %dma_start3A_302 = arith.constant 0 : i32
        %dma_start3A_303 = tpu.memref_slice %arg6[%dma_start3A_300, %dma_start3A_301, %dma_start3A_302] : memref<5x128x128xf32, #tpu.memory_space<vmem>> -> memref<1x128x128xf32, #tpu.memory_space<vmem>>
        %dma_start3A_304 = tpu.memref_squeeze %dma_start3A_303 : memref<1x128x128xf32, #tpu.memory_space<vmem>> -> memref<128x128xf32, #tpu.memory_space<vmem>>
        %dma_start3A_305 = arith.constant 0 : i32
        %dma_start3A_306 = tpu.memref_slice %arg5[%add3A_299, %dma_start3A_305] : memref<50x128xi32, #tpu.memory_space<vmem>> -> memref<1x128xi32, #tpu.memory_space<vmem>>
        %dma_start3A_307 = tpu.memref_squeeze %dma_start3A_306 : memref<1x128xi32, #tpu.memory_space<vmem>> -> memref<128xi32, #tpu.memory_space<vmem>>
        %dma_start3A_308 = arith.constant 0 : i32
        %dma_start3A_309 = arith.constant 0 : i32
        %dma_start3A_310 = tpu.memref_slice %arg2[%dma_start3A_308, %dma_start3A_309] : memref<100000x128xf32, #tpu.memory_space<hbm>> -> memref<100000x128xf32, #tpu.memory_space<hbm>>
        tpu.enqueue_indirect_dma source(%dma_start3A_310 : memref<100000x128xf32, #tpu.memory_space<hbm>>) target(%dma_start3A_304 : memref<128x128xf32, #tpu.memory_space<vmem>>) offsets(%dma_start3A_307 : memref<128xi32, #tpu.memory_space<vmem>>) semaphore(%arg7 : memref<!tpu.dma_semaphore, #tpu.memory_space<semaphore_mem>>)
      } else {
      }
      %dma_wait3A_268 = arith.constant 4 : i32
      %dma_wait3A_269 = arith.constant 0 : i32
      %dma_wait3A_270 = arith.constant 0 : i32
      %dma_wait3A_271 = tpu.memref_slice %arg6[%dma_wait3A_268, %dma_wait3A_269, %dma_wait3A_270] : memref<5x128x128xf32, #tpu.memory_space<vmem>> -> memref<1x128x128xf32, #tpu.memory_space<vmem>>
      %dma_wait3A_272 = tpu.memref_squeeze %dma_wait3A_271 : memref<1x128x128xf32, #tpu.memory_space<vmem>> -> memref<128x128xf32, #tpu.memory_space<vmem>>
      %dma_wait3A_273 = arith.constant 0 : i32
      %dma_wait3A_274 = tpu.memref_slice %arg5[%add3A_255, %dma_wait3A_273] : memref<50x128xi32, #tpu.memory_space<vmem>> -> memref<1x128xi32, #tpu.memory_space<vmem>>
      %dma_wait3A_275 = tpu.memref_squeeze %dma_wait3A_274 : memref<1x128xi32, #tpu.memory_space<vmem>> -> memref<128xi32, #tpu.memory_space<vmem>>
      %dma_wait3A_276 = arith.constant 0 : i32
      %dma_wait3A_277 = arith.constant 0 : i32
      %dma_wait3A_278 = tpu.memref_slice %arg2[%dma_wait3A_276, %dma_wait3A_277] : memref<100000x128xf32, #tpu.memory_space<hbm>> -> memref<100000x128xf32, #tpu.memory_space<hbm>>
      tpu.wait_indirect_dma semaphore(%arg7 : memref<!tpu.dma_semaphore, #tpu.memory_space<semaphore_mem>>) src(%dma_wait3A_278 : memref<100000x128xf32, #tpu.memory_space<hbm>>) dst(%dma_wait3A_272 : memref<128x128xf32, #tpu.memory_space<vmem>>)
      %parallel_loop3A_279 = arith.constant 0 : i32
      %parallel_loop3A_280 = arith.constant 1024 : i32
      %parallel_loop3A_281 = arith.constant 1 : i32
      scf.for %parallel_loop3A_298 = %parallel_loop3A_279 to %parallel_loop3A_280 step %parallel_loop3A_281  : i32 {
        %parallel_loop3A_299 = arith.constant 3 : i32
        %parallel_loop3A_300 = arith.shrui %parallel_loop3A_298, %parallel_loop3A_299 : i32
        %parallel_loop3A_301 = arith.constant 7 : i32
        %parallel_loop3A_302 = arith.andi %parallel_loop3A_298, %parallel_loop3A_301 : i32
        %parallel_loop3A_303 = arith.constant 4 : i32
        %parallel_loop3A_304 = arith.shli %parallel_loop3A_302, %parallel_loop3A_303 : i32
        %parallel_loop3A_305 = arith.constant 4 : i32
        %parallel_loop3A_306 = arith.index_cast %parallel_loop3A_305 : i32 to index
        %parallel_loop3A_307 = arith.index_cast %parallel_loop3A_300 : i32 to index
        %parallel_loop3A_308 = arith.index_cast %parallel_loop3A_304 : i32 to index
        %parallel_loop3A_309 = tpu.vector_load %arg6[%parallel_loop3A_306, %parallel_loop3A_307, %parallel_loop3A_308] {strides = array<i32>} : memref<5x128x128xf32, #tpu.memory_space<vmem>>, vector<1x1x16xf32>,
        %parallel_loop3A_310 = vector.shape_cast %parallel_loop3A_309 : vector<1x1x16xf32> to vector<16xf32>
        %parallel_loop3A_311 = arith.constant 11.3137083 : f32
        %parallel_loop3A_312 = vector.broadcast %parallel_loop3A_311 : f32 to vector<16xf32>
        %parallel_loop3A_313 = arith.mulf %parallel_loop3A_310, %parallel_loop3A_312 : vector<16xf32>
        %parallel_loop3A_314 = arith.constant 4 : i32
        %parallel_loop3A_315 = arith.index_cast %parallel_loop3A_314 : i32 to index
        %parallel_loop3A_316 = arith.index_cast %parallel_loop3A_300 : i32 to index
        %parallel_loop3A_317 = arith.index_cast %parallel_loop3A_304 : i32 to index
        %parallel_loop3A_318 = tpu.vector_load %arg6[%parallel_loop3A_315, %parallel_loop3A_316, %parallel_loop3A_317] {strides = array<i32>} : memref<5x128x128xf32, #tpu.memory_space<vmem>>, vector<1x1x16xf32>,
        %parallel_loop3A_319 = vector.shape_cast %parallel_loop3A_318 : vector<1x1x16xf32> to vector<16xf32>
        %parallel_loop3A_320 = vector.shape_cast %parallel_loop3A_313 : vector<16xf32> to vector<1x1x16xf32>
        tpu.vector_store %arg6[%parallel_loop3A_315, %parallel_loop3A_316, %parallel_loop3A_317], %parallel_loop3A_320 {strides = array<i32>} : memref<5x128x128xf32, #tpu.memory_space<vmem>>, vector<1x1x16xf32>,
      } {sc.loop_unroll_factor = 8 : i64, sc.parallel_access}
      %dma_start3A_282 = arith.constant 4 : i32
      %dma_start3A_283 = arith.constant 0 : i32
      %dma_start3A_284 = arith.constant 0 : i32
      %dma_start3A_285 = tpu.memref_slice %arg6[%dma_start3A_282, %dma_start3A_283, %dma_start3A_284] : memref<5x128x128xf32, #tpu.memory_space<vmem>> -> memref<1x128x128xf32, #tpu.memory_space<vmem>>
      %dma_start3A_286 = tpu.memref_squeeze %dma_start3A_285 : memref<1x128x128xf32, #tpu.memory_space<vmem>> -> memref<128x128xf32, #tpu.memory_space<vmem>>
      %dma_start3A_287 = arith.constant 0 : i32
      %dma_start3A_288 = tpu.memref_slice %arg4[%add3A_255, %mul3A_2, %dma_start3A_287] : memref<50x4096x128xf32, #tpu.memory_space<hbm>> -> memref<1x128x128xf32, #tpu.memory_space<hbm>>
      %dma_start3A_289 = tpu.memref_squeeze %dma_start3A_288 : memref<1x128x128xf32, #tpu.memory_space<hbm>> -> memref<128x128xf32, #tpu.memory_space<hbm>>
      %dma_start3A_290 = arith.constant 0 : i32
      %dma_start3A_291 = tpu.memref_slice %arg4[%add3A_255, %mul3A_2, %dma_start3A_290] : memref<50x4096x128xf32, #tpu.memory_space<hbm>> -> memref<1x128x128xf32, #tpu.memory_space<hbm>>
      %dma_start3A_292 = tpu.memref_squeeze %dma_start3A_291 : memref<1x128x128xf32, #tpu.memory_space<hbm>> -> memref<128x128xf32, #tpu.memory_space<hbm>>
      %dma_start3A_293 = arith.constant 0 : i32
      %dma_start3A_294 = arith.constant 0 : i32
      %dma_start3A_295 = tpu.memref_slice %arg6[%dma_start3A_282, %dma_start3A_293, %dma_start3A_294] : memref<5x128x128xf32, #tpu.memory_space<vmem>> -> memref<1x128x128xf32, #tpu.memory_space<vmem>>
      %dma_start3A_296 = tpu.memref_squeeze %dma_start3A_295 : memref<1x128x128xf32, #tpu.memory_space<vmem>> -> memref<128x128xf32, #tpu.memory_space<vmem>>
      tpu.enqueue_dma source(%dma_start3A_296 : memref<128x128xf32, #tpu.memory_space<vmem>>) target(%dma_start3A_292 : memref<128x128xf32, #tpu.memory_space<hbm>>) target_semaphore(%arg8 : memref<!tpu.dma_semaphore, #tpu.memory_space<semaphore_mem>>)
      %scan3A_297 = arith.constant 0 : i32
      scf.yield %scan3A_297 : i32
    }
    %scan3A_43 = arith.constant 10 : i32
    %dma_wait3A = arith.constant 0 : i32
    %dma_wait3A_44 = arith.constant 0 : i32
    %dma_wait3A_45 = arith.constant 0 : i32
    %dma_wait3A_46 = arith.constant 0 : i32
    %dma_wait3A_47 = tpu.memref_slice %arg6[%dma_wait3A, %dma_wait3A_45, %dma_wait3A_46] : memref<5x128x128xf32, #tpu.memory_space<vmem>> -> memref<1x128x128xf32, #tpu.memory_space<vmem>>
    %dma_wait3A_48 = tpu.memref_squeeze %dma_wait3A_47 : memref<1x128x128xf32, #tpu.memory_space<vmem>> -> memref<128x128xf32, #tpu.memory_space<vmem>>
    %dma_wait3A_49 = arith.constant 0 : i32
    %dma_wait3A_50 = tpu.memref_slice %arg4[%dma_wait3A_44, %mul3A_2, %dma_wait3A_49] : memref<50x4096x128xf32, #tpu.memory_space<hbm>> -> memref<1x128x128xf32, #tpu.memory_space<hbm>>
    %dma_wait3A_51 = tpu.memref_squeeze %dma_wait3A_50 : memref<1x128x128xf32, #tpu.memory_space<hbm>> -> memref<128x128xf32, #tpu.memory_space<hbm>>
    %dma_wait3A_52 = arith.constant 0 : i32
    %dma_wait3A_53 = tpu.memref_slice %arg4[%dma_wait3A_44, %mul3A_2, %dma_wait3A_52] : memref<50x4096x128xf32, #tpu.memory_space<hbm>> -> memref<1x128x128xf32, #tpu.memory_space<hbm>>
    %dma_wait3A_54 = tpu.memref_squeeze %dma_wait3A_53 : memref<1x128x128xf32, #tpu.memory_space<hbm>> -> memref<128x128xf32, #tpu.memory_space<hbm>>
    %dma_wait3A_55 = arith.constant 0 : i32
    %dma_wait3A_56 = arith.constant 0 : i32
    %dma_wait3A_57 = tpu.memref_slice %arg6[%dma_wait3A, %dma_wait3A_55, %dma_wait3A_56] : memref<5x128x128xf32, #tpu.memory_space<vmem>> -> memref<1x128x128xf32, #tpu.memory_space<vmem>>
    %dma_wait3A_58 = tpu.memref_squeeze %dma_wait3A_57 : memref<1x128x128xf32, #tpu.memory_space<vmem>> -> memref<128x128xf32, #tpu.memory_space<vmem>>
    tpu.wait_dma2 semaphore(%arg8 : memref<!tpu.dma_semaphore, #tpu.memory_space<semaphore_mem>>) src(%dma_wait3A_58 : memref<128x128xf32, #tpu.memory_space<vmem>>) dst(%dma_wait3A_54 : memref<128x128xf32, #tpu.memory_space<hbm>>)
    %dma_wait3A_59 = arith.constant 1 : i32
    %dma_wait3A_60 = arith.constant 0 : i32
    %dma_wait3A_61 = arith.constant 0 : i32
    %dma_wait3A_62 = arith.constant 0 : i32
    %dma_wait3A_63 = tpu.memref_slice %arg6[%dma_wait3A_59, %dma_wait3A_61, %dma_wait3A_62] : memref<5x128x128xf32, #tpu.memory_space<vmem>> -> memref<1x128x128xf32, #tpu.memory_space<vmem>>
    %dma_wait3A_64 = tpu.memref_squeeze %dma_wait3A_63 : memref<1x128x128xf32, #tpu.memory_space<vmem>> -> memref<128x128xf32, #tpu.memory_space<vmem>>
    %dma_wait3A_65 = arith.constant 0 : i32
    %dma_wait3A_66 = tpu.memref_slice %arg4[%dma_wait3A_60, %mul3A_2, %dma_wait3A_65] : memref<50x4096x128xf32, #tpu.memory_space<hbm>> -> memref<1x128x128xf32, #tpu.memory_space<hbm>>
    %dma_wait3A_67 = tpu.memref_squeeze %dma_wait3A_66 : memref<1x128x128xf32, #tpu.memory_space<hbm>> -> memref<128x128xf32, #tpu.memory_space<hbm>>
    %dma_wait3A_68 = arith.constant 0 : i32
    %dma_wait3A_69 = tpu.memref_slice %arg4[%dma_wait3A_60, %mul3A_2, %dma_wait3A_68] : memref<50x4096x128xf32, #tpu.memory_space<hbm>> -> memref<1x128x128xf32, #tpu.memory_space<hbm>>
    %dma_wait3A_70 = tpu.memref_squeeze %dma_wait3A_69 : memref<1x128x128xf32, #tpu.memory_space<hbm>> -> memref<128x128xf32, #tpu.memory_space<hbm>>
    %dma_wait3A_71 = arith.constant 0 : i32
    %dma_wait3A_72 = arith.constant 0 : i32
    %dma_wait3A_73 = tpu.memref_slice %arg6[%dma_wait3A_59, %dma_wait3A_71, %dma_wait3A_72] : memref<5x128x128xf32, #tpu.memory_space<vmem>> -> memref<1x128x128xf32, #tpu.memory_space<vmem>>
    %dma_wait3A_74 = tpu.memref_squeeze %dma_wait3A_73 : memref<1x128x128xf32, #tpu.memory_space<vmem>> -> memref<128x128xf32, #tpu.memory_space<vmem>>
    tpu.wait_dma2 semaphore(%arg8 : memref<!tpu.dma_semaphore, #tpu.memory_space<semaphore_mem>>) src(%dma_wait3A_74 : memref<128x128xf32, #tpu.memory_space<vmem>>) dst(%dma_wait3A_70 : memref<128x128xf32, #tpu.memory_space<hbm>>)
    return
  }
}

</mosaic_0001>

<sc_bundles>
// kernel: kernel.3.cloned.1.call-start
scs
__scs_entry_jumppad:
0x0: {  	(pc) =	sbr.rel $0x88, $3  }
0x1: {  	(tag) =	ssettag $0x0;
	lr =	simm.s32 $0x1  }
0x2: {  	[smem:$0x3F9F] =	sst lr;
	_ =	strace $0xD0000000  }
0x3: {  	_ = 	snop  }
0x4: {  	_ = 	snop  }
0x5: {  	_ = 	snop  }
0x6: {  	_ = 	snop  }
0x7: {  	_ = 	snop  }
__scs_overlays_trampoline_lowered:
0x8: {  	[smem:$0x3FAE] =	sst s0  }
0x9: {  	[smem:$0x3FAF] =	sst s1  }
0xa: {  	[smem:$0x3FB0] =	sst s2  }
0xb: {  	[smem:$0x3FB1] =	sst s3  }
0xc: {  	[smem:$0x3FB2] =	sst s4  }
0xd: {  	[smem:$0x3FB3] =	sst s5  }
0xe: {  	[smem:$0x3FB4] =	sst s6  }
0xf: {  	[smem:$0x3FB5] =	sst s7  }
0x10: {  	[smem:$0x3FB6] =	sst s8  }
0x11: {  	[smem:$0x3FB7] =	sst s9;
	s0 =	simm.s32 @!p0 $0x0  }
0x12: {  	s1 =	sld [smem:$0x3F9D];
	s0 =	simm.s32 @p0 $0x1  }
0x13: {  	[smem:$0x3FB8] =	sst s0;
	s0 =	simm.s32 @!p1 $0x0  }
0x14: {  	s2 =	sld [smem:$0x3F9C];
	s0 =	simm.s32 @p1 $0x1  }
0x15: {  	[smem:$0x3FB9] =	sst s0;
	s0 =	simm.s32 @!p2 $0x0  }
0x16: {  	s3 =	sld [smem:$0x3FDB];
	s0 =	simm.s32 @p2 $0x1  }
0x17: {  	s4 =	simm.s32 $0x1BF5;
	[smem:$0x3FBB] =	sst s0  }
0x18: {  	s0 =	sld [smem:$0x3F9E];
	_ =	swait.ge [sflag:s4], $0x0  }
0x19: {  	s7 =	sld [smem:$0x3F9F]  }
0x1a: {  	s8 =	sadd.s32 $0xFFFFE003, lr  }
0x1b: {  	s9 =	sadd.s32 $0xFFFFFEF7, lr;
	s5 =	simm.s32 $0xFFFFFFFF;
	p2 =	slt.u32 s8, $0xFFFFF086  }
0x1c: {  	p1 =	slt.u32 s9, $0xF7A;
	s5 =	simm.s32 @!p2 $0x0  }
0x1d: {  	s5 =	simm.s32 @p1 $0x1;
	p0 =	seq.s32 s7, s2  }
0x1e: {  	s7 =	smul.u32 @!p0 $0xF7A, s2;
	p2 =	seq.s32 @!p0 s5, $0x0  }
0x1f: {  	s9 =	smul.u32 $0xF7A, s1;
	s8 =	simm.s32 @!p0 $0x1BF5;
	p2 =	por !p2, p0  }
0x20: {  	[sflag:s8] =	ssyncset.s32 @!p0 $0xFFFFF086;
	s6 =	sadd.s32 @!p0 s3, s7;
	s7 =	simm.s32 @!p0 $0x108  }
0x21: {  	s3 =	sadd.s32 s3, s9;
	s6 =	sadd.s32 @!p0 $0x88, s6;
	s7 =	simm.s32 @p2 $0x1082  }
0x22: {  	[simem:s7], [sflag:s8] =	dma.local @!p0 [hbm:s6], $0xF7A  }
0x23: {  	s9 =	sor.u32 $0xD0000000, s2;
	s6 =	simm.s32 $0x108;
	_ =	swait.ge @!p0 [sflag:s8], $0x0  }
0x24: {  	s3 =	sadd.s32 $0x88, s3;
	s6 =	simm.s32 @!p1 $0x1082;
	[sflag:s4] =	ssyncset.s32 $0xFFFFF086  }
0x25: {  	[simem:s6], [sflag:s4] =	dma.local [hbm:s3], $0xF7A  }
0x26: {  	[smem:$0x3F9F] =	sst s1;
	(tag) =	ssettag s2;
	_ =	strace s9  }
0x27: {  	s1 =	sld [smem:$0x3FAF]  }
0x28: {  	s2 =	sld [smem:$0x3FB0]  }
0x29: {  	s4 =	sld [smem:$0x3FB2]  }
0x2a: {  	p0 =	seq.s32 s5, $0x0;
	s5 =	sld [smem:$0x3FB3]  }
0x2b: {  	s6 =	sld [smem:$0x3FB4]  }
0x2c: {  	s7 =	sld [smem:$0x3FB5]  }
0x2d: {  	s3 =	simm.s32 $0x108;
	s8 =	sld [smem:$0x3FB6]  }
0x2e: {  	s3 =	simm.s32 @!p0 $0x1082;
	s9 =	sld [smem:$0x3FB7]  }
0x2f: {  	lr =	sadd.s32 s0, s3;
	s0 =	sld [smem:$0x3FAE]  }
0x30: {  	s3 =	sld [smem:$0x3FB1]  }
0x31: {  	[smem:$0x3FBA] =	sst s10  }
0x32: {  	s10 =	sld [smem:$0x3FB8];
	_ =	sdelay $0x3  }
0x33: {  	p0 =	seq.s32 s10, $0x1;
	s10 =	sld [smem:$0x3FBA];
	_ =	sdelay $0x3  }
0x34: {  	[smem:$0x3FBA] =	sst s10  }
0x35: {  	s10 =	sld [smem:$0x3FB9];
	_ =	sdelay $0x3  }
0x36: {  	p1 =	seq.s32 s10, $0x1;
	s10 =	sld [smem:$0x3FBA];
	_ =	sdelay $0x3  }
0x37: {  	[smem:$0x3FBA] =	sst s10  }
0x38: {  	s10 =	sld [smem:$0x3FBB]  }
0x39: {  	_ = 	snop;
	(pc) =	sbr.ind lr, $3  }
0x3a: {  	_ = 	snop  }
0x3b: {  	_ = 	snop  }
0x3c: {  	p2 =	seq.s32 s10, $0x1;
	s10 =	sld [smem:$0x3FBA]  }
0x3d: {  	_ =	shalt  }
0x3e: {  	_ =	shalt  }
0x3f: {  	_ =	shalt  }
0x40: {  	_ =	shalt  }
0x41: {  	_ =	shalt  }
0x42: {  	_ =	shalt  }
0x43: {  	_ =	shalt  }
0x44: {  	_ =	shalt  }
0x45: {  	_ =	shalt  }
0x46: {  	_ =	shalt  }
0x47: {  	_ =	shalt  }
0x48: {  	_ =	shalt  }
0x49: {  	_ =	shalt  }
0x4a: {  	_ =	shalt  }
0x4b: {  	_ =	shalt  }
0x4c: {  	_ =	shalt  }
0x4d: {  	_ =	shalt  }
0x4e: {  	_ =	shalt  }
0x4f: {  	_ =	shalt  }
0x50: {  	_ =	shalt  }
0x51: {  	_ =	shalt  }
0x52: {  	_ =	shalt  }
0x53: {  	_ =	shalt  }
0x54: {  	_ =	shalt  }
0x55: {  	_ =	shalt  }
0x56: {  	_ =	shalt  }
0x57: {  	_ =	shalt  }
0x58: {  	_ =	shalt  }
0x59: {  	_ =	shalt  }
0x5a: {  	_ =	shalt  }
0x5b: {  	_ =	shalt  }
0x5c: {  	_ =	shalt  }
0x5d: {  	_ =	shalt  }
0x5e: {  	_ =	shalt  }
0x5f: {  	_ =	shalt  }
0x60: {  	_ =	shalt  }
0x61: {  	_ =	shalt  }
0x62: {  	_ =	shalt  }
0x63: {  	_ =	shalt  }
0x64: {  	_ =	shalt  }
0x65: {  	_ =	shalt  }
0x66: {  	_ =	shalt  }
0x67: {  	_ =	shalt  }
0x68: {  	_ =	shalt  }
0x69: {  	_ =	shalt  }
0x6a: {  	_ =	shalt  }
0x6b: {  	_ =	shalt  }
0x6c: {  	_ =	shalt  }
0x6d: {  	_ =	shalt  }
0x6e: {  	_ =	shalt  }
0x6f: {  	_ =	shalt  }
0x70: {  	_ =	shalt  }
0x71: {  	_ =	shalt  }
0x72: {  	_ =	shalt  }
0x73: {  	_ =	shalt  }
0x74: {  	_ =	shalt  }
0x75: {  	_ =	shalt  }
0x76: {  	_ =	shalt  }
0x77: {  	_ =	shalt  }
0x78: {  	_ =	shalt  }
0x79: {  	_ =	shalt  }
0x7a: {  	_ =	shalt  }
0x7b: {  	_ =	shalt  }
0x7c: {  	_ =	shalt  }
0x7d: {  	_ =	shalt  }
0x7e: {  	_ =	shalt  }
0x7f: {  	_ =	shalt  }
0x80: {  	_ =	shalt  }
0x81: {  	_ =	shalt  }
0x82: {  	_ =	shalt  }
0x83: {  	_ =	shalt  }
0x84: {  	_ =	shalt  }
0x85: {  	_ =	shalt  }
0x86: {  	_ =	shalt  }
0x87: {  	_ =	shalt  }
.Lfunc_end0:
.L_simem_size_0:
called_computation_lowered:
.L_overlay_start_0:
0x88: {  	s2 =	sld [smem:$0x3FD9]  }
0x89: {  	s3 =	sld [smem:$0x3FFE];
	_ =	sdelay $0x1  }
0x8a: {  	s1 =	srdreg.scid  }
0x8b: {  	s0 =	sand.u32 $0x1, s1  }
0x8c: {  	s18 =	sshll.u32 s0, $0xA;
	s2 =	sadd.s32 s3, s2  }
0x8d: {  	s2 =	sadd.s32 s2, s18  }
0x8e: {  	[smem:$0x3FC6] =	sst s2  }
0x8f: {  	_ = 	snop  }
0x90: {  	s2 =	sld [smem:$0x3FC9]  }
0x91: {  	s19 =	sld [smem:$0x3FC8]  }
0x92: {  	s4 =	sld [smem:$0x3FD0];
	(tm) =	ssettm $0x1  }
0x93: {  	s5 =	sld [smem:$0x3FFB];
	_ =	sdelay $0x3  }
0x94: {  	_ =	strace s5  }
0x95: {  	s5 =	sld [smem:$0x3FFC];
	_ =	sdelay $0x3  }
0x96: {  	_ =	strace s5  }
0x97: {  	s5 =	sld [smem:$0x3FFD];
	_ =	sdelay $0x3  }
0x98: {  	_ =	strace s5  }
0x99: {  	_ =	strace $0x8FFFFFFF  }
0x9a: {  	s20 =	sld [smem:$0x3FDB];
	_ =	sdelay $0x1  }
0x9b: {  	s6 =	simm.s32 $_scs_section_size  }
0x9c: {  	s7 =	simm.s32 $_size__tile_overlayer_lowered;
	s8 =	simm.s32 $_tile_overlayer_lowered  }
0x9d: {  	s23 =	simm.s32 $0x1BFF;
	s22 =	sshll.u32 s8, $0x1;
	s5 =	sadd.s32 s6, s20  }
0x9e: {  	s9 =	simm.s32 $0x0;
	s21 =	sshll.u32 s7, $0x1;
	s7 =	sadd.s32 s22, s5  }
0x9f: {  	[timem:s9], [sflag:s23] =	dma.local [hbm:s7], s21  }
0xa0: {  	_ =	swait.ge [sflag:s23], s21  }
0xa1: {  	s6 =	ssub.s32 $0x0, s21;
	[sflag:s23] =	ssyncset.done $0x0  }
0xa2: {  	[sflag:s23] =	ssyncadd.s32 s6;
	_ =	sdelay $0x1  }
0xa3: {  	s24 =	simm.s32 $0x1B8B  }
0xa4: {  	_ =	swait.ge [sflag:s24], $0x1  }
0xa5: {  	[sflag:s24] =	ssyncset.done $0x0  }
0xa6: {  	s25 =	simm.s32 $0x1B8E;
	[sflag:s24] =	ssyncadd.s32 $0xFFFFFFFF  }
0xa7: {  	s26 =	simm.s32 $execute0_lowered;
	[smem:$0x3FD2] =	sst s25  }
0xa8: {  	s6 =	sshll.u32 s26, $0x1;
	_ =	strace $0x80000046;
	[dreg:$0x1] =	wrdreg $0xFFFFFFFF  }
0xa9: {  	s28 =	simm.s32 $_size_execute0_lowered;
	s5 =	sadd.s32 s5, s6;
	[dreg:$0x0] =	wrdreg $0x0  }
0xaa: {  	s6 =	sshll.u32 s28, $0x1;
	[dreg:$0x2] =	wrdreg s5  }
0xab: {  	[dreg:$0x3] =	wrdreg s6  }
0xac: {  	[dreg:$0x4] =	wrdreg $0xC0  }
0xad: {  	_ =	task [dreg:s9], $0x5FFFF  }
0xae: {  	[dreg:$0x1] =	wrdreg $0xFFFFFFFF  }
0xaf: {  	[dreg:$0x0] =	wrdreg $0x60  }
0xb0: {  	[dreg:$0x2] =	wrdreg s19  }
0xb1: {  	[dreg:$0x3] =	wrdreg s2  }
0xb2: {  	[dreg:$0x4] =	wrdreg s4  }
0xb3: {  	[dreg:$0x5] =	wrdreg $0x9  }
0xb4: {  	_ =	task.clear_ibuf [dreg:s9], $0x6FFFF;
	_ =	strace $0x90000046  }
0xb5: {  	s29 =	simm.s32 $0x9;
	_ =	strace $0x80000048  }
0xb6: {  	_ =	swait.ge [sflag:s29], $0x1  }
0xb7: {  	[sflag:s29] =	ssyncadd.s32 $0xFFFFFFFF  }
0xb8: {  	_ =	strace $0x90000048  }
0xb9: {  	_ =	sfence  }
0xba: {  	s30 =	sld [smem:$0x0];
	_ =	sdelay $0x2  }
0xbb: {  	s31 =	sshll.u32 s1, $0xD;
	s1 =	sshrl.u32 s1, $0x2  }
0xbc: {  	s3 =	sand.u32 $0x4000, s31;
	s1 =	sadd.s32 s1, s30  }
0xbd: {  	s0 =	sor.u32 s3, s0;
	s1 =	sshll.u32 s1, $0x11  }
0xbe: {  	s0 =	sor.u32 s1, s0  }
0xbf: {  	s0 =	sadd.s32 $0x8F2B, s0  }
0xc0: {  	[sflag:s0] =	ssyncadd.remote.s32 $0x1  }
0xc1: {  	_ =	sfence.sel $0xFFFF  }
0xc2: {  	[dreg:$0x0] =	wrdreg $0xFFFFFFFF;
	(pc) =	sbr.abs _section_cstart, $3  }
0xc3: {  	[dreg:$0x1] =	wrdreg $0xFFFFFFFF  }
0xc4: {  	_ =	task.clear_ibuf [dreg:s9], $0x2FFFF;
	_ =	strace $0x9FFFFFFF  }
0xc5: {  	(tm) =	ssettm $0x7FFFFFFF  }
tec
execute0_lowered:
.L_overlay_start_1:
0x0: {  	(tag) =	ssettag $0x1  }
0x1: {  	s1 =	rddreg [dreg:$0x0]  }
0x2: {  	s0 =	rddreg [dreg:$0x1]  }
0x3: {  	s2 =	rddreg [dreg:$0x2];
	s4 =	simm.s32 $0x0;
	s3 =	srdreg.scid  }
0x4: {  	s6 =	stileid.u32;
	s11 =	simm.s32 $0x400;
	s12 =	simm.s32 $0x8000  }
0x5: {  	s13 =	simm.s32 $0x1800;
	s14 =	simm.s32 $0x3;
	s15 =	simm.s32 $0x80  }
0x6: {  	s16 =	simm.s32 $0x1C00;
	s17 =	simm.s32 $0x5C00;
	s18 =	simm.s32 $0x100  }
0x7: {  	s19 =	simm.s32 $0x9C00;
	s20 =	simm.s32 $0xDC00;
	s21 =	simm.s32 $0x1  }
0x8: {  	s22 =	simm.s32 $0x11C00;
	s23 =	simm.s32 $0x2;
	s3 =	sand.u32 $0x1, s3  }
0x9: {  	s6 =	sshll.u32 s6, $0x8;
	s5 =	ssub.s32 $0x2, s3;
	s3 =	sshll.u32 s3, $0x7  }
0xa: {  	s24 =	simm.s32 $0x0;
	s7 =	sshrl.u32 s5, $0x1;
	s3 =	sor.u32 s3, s6  }
0xb: {  	[smem:$0x7FF] =	sst s4;
	s10 =	ssub.s32 s5, s7;
	s5 =	sadd.s32 s0, s3  }
0xc: {  	_ =	strace $0x80000047;
	s6 =	sshll.u32 s3, $0x7;
	s7 =	sadd.s32 $0x6000, s5  }
0xd: {  	s8 =	sor.u32 $0x80000, s6;
	s9 =	sor.u32 $0x100000, s6;
	s10 =	smax.u32 s10, $0x1  }
.LBB2_1:
0xe: {  	[tilespmem:s4], [sflag:$0x3] =	stream.strided.gather [hbm4b:s5+s11], $0x1800, s12, s11, $0x38;
	[tilespmem:$0x15C00] =	vst v63  }
0xf: {  	_ = 	snop  }
0x10: {  	[tilespmem:s13], [sflag:$0x3] =	stream.linear.gather [hbm4b:s7+s4], $0x100, $0x38;
	[tilespmem:$0x15C00] =	vst v63  }
0x11: {  	_ =	swait.ge [sflag:s14], $0x1900  }
0x12: {  	[sflag:s14] =	ssyncset.done $0x0  }
0x13: {  	[sflag:s14] =	ssyncadd.s32 $0xFFFFE700  }
0x14: {  	[tilespmem:s16], [sflag:$0x1] =	stream.indirect.gather [hbm4b:s1+s15], $0x80, s4, s15, $0xb8;
	[tilespmem:$0x15C00] =	vst v63  }
0x15: {  	_ = 	snop  }
0x16: {  	[tilespmem:s17], [sflag:$0x1] =	stream.indirect.gather [hbm4b:s1+s15], $0x80, s15, s15, $0xb8;
	[tilespmem:$0x15C00] =	vst v63  }
0x17: {  	s25 =	simm.s32 $0x0  }
0x18: {  	[tilespmem:s19], [sflag:$0x1] =	stream.indirect.gather [hbm4b:s1+s15], $0x80, s18, s15, $0xb8;
	[tilespmem:$0x15C00] =	vst v63  }
.LBB2_2:
0x19: {  	s28 =	smul.u32 $0x5, s25;
	p0 =	seq.s32 s25, $0x0  }
0x1a: {  	s0 =	simm.s32 @!p0 $0x2  }
0x1b: {  	_ =	swait.ge @!p0 [sflag:s0], $0x4000;
	s26 =	sadd.s32 $0x3, s28  }
0x1c: {  	[sflag:s0] =	ssyncset.done @!p0 $0x0;
	s3 =	sshll.u32 s26, $0x7  }
0x1d: {  	[sflag:s0] =	ssyncadd.s32 @!p0 $0xFFFFC000;
	s31 =	sand.u32 $0x3FFFFF80, s3  }
0x1e: {  	[tilespmem:s20], [sflag:$0x1] =	stream.indirect.gather [hbm4b:s1+s15], $0x80, s31, s15, $0xb8;
	[tilespmem:$0x15C00] =	vst v63  }
0x1f: {  	_ =	swait.ge [sflag:s21], $0x4000  }
0x20: {  	[sflag:s21] =	ssyncset.done $0x0  }
0x21: {  	s30 =	simm.s32 $0x1C40;
	[sflag:s21] =	ssyncadd.s32 $0xFFFFC000  }
0x22: {  	v1 =	vld [tilespmem:s30+$0x30]  }
0x23: {  	v4 =	vld [tilespmem:s30+$0xFFFFFFD0]  }
0x24: {  	v6 =	vld [tilespmem:s30+$0xFFFFFFE0]  }
0x25: {  	v3 =	vld [tilespmem:s30+$0xFFFFFFF0]  }
0x26: {  	v2 =	vld [tilespmem:s30+$0x0]  }
0x27: {  	v0 =	vld [tilespmem:s30+$0x10];
	v7 =	vmul.f32 $1.131370830e+01, v1  }
0x28: {  	v1 =	vld [tilespmem:s30+$0x20];
	v5 =	vmul.f32 $1.131370830e+01, v4  }
0x29: {  	s29 =	simm.s32 $0x0;
	s0 =	simm.s32 $0x1CC0;
	v4 =	vld [tilespmem:s30+$0xFFFFFFC0];
	v6 =	vmul.f32 $1.131370830e+01, v6;
	[tilespmem:s30+$0x30] =	vst v7  }
.LBB2_3:
0x2a: {  	v7 =	vld [tilespmem:s0+$0x30];
	s29 =	sadd.s32 $0x8, s29;
	[tilespmem:s30+$0xFFFFFFD0] =	vst v5;
	v3 =	vmul.f32 $1.131370830e+01, v3  }
0x2b: {  	v5 =	vld [tilespmem:s0+$0xFFFFFFD0];
	p1 =	slt.u32 s29, $0x3F8;
	[tilespmem:s30+$0xFFFFFFE0] =	vst v6;
	v2 =	vmul.f32 $1.131370830e+01, v2  }
0x2c: {  	v6 =	vld [tilespmem:s0+$0xFFFFFFE0];
	[tilespmem:s30+$0xFFFFFFF0] =	vst v3;
	v0 =	vmul.f32 $1.131370830e+01, v0  }
.Ltmp0:
0x2d: {  	v3 =	vld [tilespmem:s0+$0xFFFFFFF0];
	[tilespmem:s30+$0x0] =	vst v2;
	v1 =	vmul.f32 $1.131370830e+01, v1;
	(pc) =	sbr.rel @p1 .LBB2_3-.Ltmp0, $4  }
0x2e: {  	v2 =	vld [tilespmem:s0+$0x0];
	v4 =	vmul.f32 $1.131370830e+01, v4;
	[tilespmem:s30+$0x10] =	vst v0  }
0x2f: {  	v0 =	vld [tilespmem:s0+$0x10];
	v7 =	vmul.f32 $1.131370830e+01, v7;
	[tilespmem:s30+$0x20] =	vst v1  }
0x30: {  	v5 =	vmul.f32 $1.131370830e+01, v5;
	v1 =	vld [tilespmem:s0+$0x20];
	[tilespmem:s30+$0xFFFFFFC0] =	vst v4;
	s30 =	smov.u32 s0  }
0x31: {  	s0 =	sadd.s32 $0x80, s0;
	v4 =	vld [tilespmem:s30+$0xFFFFFFC0];
	v6 =	vmul.f32 $1.131370830e+01, v6;
	[tilespmem:s30+$0x30] =	vst v7  }
0x32: {  	[tilespmem:s30+$0xFFFFFFD0] =	vst v5;
	v3 =	vmul.f32 $1.131370830e+01, v3  }
0x33: {  	[tilespmem:s30+$0xFFFFFFE0] =	vst v6;
	v2 =	vmul.f32 $1.131370830e+01, v2  }
0x34: {  	s29 =	smul.u32 $0x280000, s25;
	[tilespmem:s30+$0xFFFFFFF0] =	vst v3;
	v0 =	vmul.f32 $1.131370830e+01, v0  }
0x35: {  	[tilespmem:s30+$0x0] =	vst v2;
	v1 =	vmul.f32 $1.131370830e+01, v1  }
0x36: {  	s0 =	sor.u32 s6, s29;
	v2 =	vmul.f32 $1.131370830e+01, v4;
	[tilespmem:s30+$0x10] =	vst v0  }
0x37: {  	s0 =	sshrl.u32 s0, $0x3;
	[tilespmem:s30+$0x20] =	vst v1  }
0x38: {  	s0 =	sadd.s32 s2, s0;
	[tilespmem:s30+$0xFFFFFFC0] =	vst v2  }
0x39: {  	[hbm4b:s0+s4] =	stream.linear.scatter [tilespmem:s16], [sflag:$0x2], $0x4000, $0x38;
	[tilespmem:$0x15C00] =	vst v63  }
0x3a: {  	s0 =	simm.s32 @!p0 $0x2  }
0x3b: {  	s28 =	sadd.s32 $0x4, s28;
	_ =	swait.ge @!p0 [sflag:s0], $0x4000  }
0x3c: {  	s3 =	sshll.u32 s28, $0x7;
	[sflag:s0] =	ssyncset.done @!p0 $0x0  }
0x3d: {  	s3 =	sand.u32 $0x3FFFFF80, s3;
	[sflag:s0] =	ssyncadd.s32 @!p0 $0xFFFFC000  }
0x3e: {  	[tilespmem:s22], [sflag:$0x1] =	stream.indirect.gather [hbm4b:s1+s15], $0x80, s3, s15, $0xb8;
	[tilespmem:$0x15C00] =	vst v63  }
0x3f: {  	_ =	swait.ge [sflag:s21], $0x4000  }
0x40: {  	[sflag:s21] =	ssyncset.done $0x0  }
0x41: {  	s30 =	simm.s32 $0x5C70;
	[sflag:s21] =	ssyncadd.s32 $0xFFFFC000  }
0x42: {  	v2 =	vld [tilespmem:s30+$0x0]  }
0x43: {  	v4 =	vld [tilespmem:s30+$0xFFFFFFA0]  }
0x44: {  	v6 =	vld [tilespmem:s30+$0xFFFFFFB0]  }
0x45: {  	v3 =	vld [tilespmem:s30+$0xFFFFFFC0]  }
0x46: {  	v1 =	vld [tilespmem:s30+$0xFFFFFFD0]  }
0x47: {  	v0 =	vld [tilespmem:s30+$0xFFFFFFE0];
	v7 =	vmul.f32 $1.131370830e+01, v2  }
0x48: {  	v2 =	vld [tilespmem:s30+$0xFFFFFFF0];
	v5 =	vmul.f32 $1.131370830e+01, v4  }
0x49: {  	s31 =	simm.s32 $0x0;
	s0 =	simm.s32 $0x5CF0;
	v4 =	vld [tilespmem:s30+$0xFFFFFF90];
	v6 =	vmul.f32 $1.131370830e+01, v6;
	[tilespmem:s30+$0x0] =	vst v7  }
.LBB2_5:
0x4a: {  	v7 =	vld [tilespmem:s0+$0x0];
	s31 =	sadd.s32 $0x8, s31;
	[tilespmem:s30+$0xFFFFFFA0] =	vst v5;
	v3 =	vmul.f32 $1.131370830e+01, v3  }
0x4b: {  	v5 =	vld [tilespmem:s0+$0xFFFFFFA0];
	p0 =	slt.u32 s31, $0x3F8;
	[tilespmem:s30+$0xFFFFFFB0] =	vst v6;
	v1 =	vmul.f32 $1.131370830e+01, v1  }
0x4c: {  	v6 =	vld [tilespmem:s0+$0xFFFFFFB0];
	[tilespmem:s30+$0xFFFFFFC0] =	vst v3;
	v0 =	vmul.f32 $1.131370830e+01, v0  }
.Ltmp1:
0x4d: {  	v3 =	vld [tilespmem:s0+$0xFFFFFFC0];
	[tilespmem:s30+$0xFFFFFFD0] =	vst v1;
	v2 =	vmul.f32 $1.131370830e+01, v2;
	(pc) =	sbr.rel @p0 .LBB2_5-.Ltmp1, $4  }
0x4e: {  	v1 =	vld [tilespmem:s0+$0xFFFFFFD0];
	v4 =	vmul.f32 $1.131370830e+01, v4;
	[tilespmem:s30+$0xFFFFFFE0] =	vst v0  }
0x4f: {  	v0 =	vld [tilespmem:s0+$0xFFFFFFE0];
	v7 =	vmul.f32 $1.131370830e+01, v7;
	[tilespmem:s30+$0xFFFFFFF0] =	vst v2  }
0x50: {  	v5 =	vmul.f32 $1.131370830e+01, v5;
	v2 =	vld [tilespmem:s0+$0xFFFFFFF0];
	[tilespmem:s30+$0xFFFFFF90] =	vst v4;
	s30 =	smov.u32 s0  }
0x51: {  	s0 =	sadd.s32 $0x80, s0;
	v4 =	vld [tilespmem:s30+$0xFFFFFF90];
	v6 =	vmul.f32 $1.131370830e+01, v6;
	[tilespmem:s30+$0x0] =	vst v7  }
0x52: {  	[tilespmem:s30+$0xFFFFFFA0] =	vst v5;
	v3 =	vmul.f32 $1.131370830e+01, v3  }
0x53: {  	[tilespmem:s30+$0xFFFFFFB0] =	vst v6;
	v1 =	vmul.f32 $1.131370830e+01, v1  }
0x54: {  	[tilespmem:s30+$0xFFFFFFC0] =	vst v3;
	v0 =	vmul.f32 $1.131370830e+01, v0  }
0x55: {  	[tilespmem:s30+$0xFFFFFFD0] =	vst v1;
	v1 =	vmul.f32 $1.131370830e+01, v2  }
0x56: {  	s0 =	sadd.s32 s8, s29;
	v2 =	vmul.f32 $1.131370830e+01, v4;
	[tilespmem:s30+$0xFFFFFFE0] =	vst v0  }
0x57: {  	s0 =	sshrl.u32 s0, $0x3;
	[tilespmem:s30+$0xFFFFFFF0] =	vst v1  }
0x58: {  	p0 =	seq.s32 s25, $0x9;
	s0 =	sadd.s32 s2, s0;
	[tilespmem:s30+$0xFFFFFF90] =	vst v2  }
0x59: {  	[hbm4b:s0+s4] =	stream.linear.scatter [tilespmem:s17], [sflag:$0x2], $0x4000, $0x38;
	[tilespmem:$0x15C00] =	vst v63  }
0x5a: {  	s0 =	smul.u32 @!p0 $0xA00, s25  }
0x5b: {  	_ =	swait.ge [sflag:s23], $0x4000  }
0x5c: {  	s3 =	simm.s32 @!p0 $0x80;
	[sflag:s23] =	ssyncset.done $0x0;
	s30 =	sshra.s32 @!p0 s0, $0x2  }
0x5d: {  	s31 =	simm.s32 @!p0 $0x1C00;
	[sflag:s23] =	ssyncadd.s32 $0xFFFFC000;
	s0 =	sadd.s32 @!p0 $0x280, s30  }
0x5e: {  	[tilespmem:s31], [sflag:$0x1] =	stream.indirect.gather @!p0 [hbm4b:s1+s3], $0x80, s0, s3, $0xb8;
	[tilespmem:$0x15C00] =	vst v63  }
0x5f: {  	_ =	swait.ge [sflag:s21], $0x4000  }
0x60: {  	[sflag:s21] =	ssyncset.done $0x0  }
0x61: {  	s31 =	simm.s32 $0x9C70;
	[sflag:s21] =	ssyncadd.s32 $0xFFFFC000  }
0x62: {  	v2 =	vld [tilespmem:s31+$0x0]  }
0x63: {  	v4 =	vld [tilespmem:s31+$0xFFFFFFA0]  }
0x64: {  	v6 =	vld [tilespmem:s31+$0xFFFFFFB0]  }
0x65: {  	v3 =	vld [tilespmem:s31+$0xFFFFFFC0]  }
0x66: {  	v1 =	vld [tilespmem:s31+$0xFFFFFFD0]  }
0x67: {  	v0 =	vld [tilespmem:s31+$0xFFFFFFE0];
	v7 =	vmul.f32 $1.131370830e+01, v2  }
0x68: {  	v2 =	vld [tilespmem:s31+$0xFFFFFFF0];
	v5 =	vmul.f32 $1.131370830e+01, v4  }
0x69: {  	s0 =	simm.s32 $0x0;
	s3 =	simm.s32 $0x9CF0;
	v4 =	vld [tilespmem:s31+$0xFFFFFF90];
	v6 =	vmul.f32 $1.131370830e+01, v6;
	[tilespmem:s31+$0x0] =	vst v7  }
.LBB2_7:
0x6a: {  	v7 =	vld [tilespmem:s3+$0x0];
	s0 =	sadd.s32 $0x8, s0;
	[tilespmem:s31+$0xFFFFFFA0] =	vst v5;
	v3 =	vmul.f32 $1.131370830e+01, v3  }
0x6b: {  	v5 =	vld [tilespmem:s3+$0xFFFFFFA0];
	p1 =	slt.u32 s0, $0x3F8;
	[tilespmem:s31+$0xFFFFFFB0] =	vst v6;
	v1 =	vmul.f32 $1.131370830e+01, v1  }
0x6c: {  	v6 =	vld [tilespmem:s3+$0xFFFFFFB0];
	[tilespmem:s31+$0xFFFFFFC0] =	vst v3;
	v0 =	vmul.f32 $1.131370830e+01, v0  }
.Ltmp2:
0x6d: {  	v3 =	vld [tilespmem:s3+$0xFFFFFFC0];
	[tilespmem:s31+$0xFFFFFFD0] =	vst v1;
	v2 =	vmul.f32 $1.131370830e+01, v2;
	(pc) =	sbr.rel @p1 .LBB2_7-.Ltmp2, $4  }
0x6e: {  	v1 =	vld [tilespmem:s3+$0xFFFFFFD0];
	v4 =	vmul.f32 $1.131370830e+01, v4;
	[tilespmem:s31+$0xFFFFFFE0] =	vst v0  }
0x6f: {  	v0 =	vld [tilespmem:s3+$0xFFFFFFE0];
	v7 =	vmul.f32 $1.131370830e+01, v7;
	[tilespmem:s31+$0xFFFFFFF0] =	vst v2  }
0x70: {  	v5 =	vmul.f32 $1.131370830e+01, v5;
	v2 =	vld [tilespmem:s3+$0xFFFFFFF0];
	[tilespmem:s31+$0xFFFFFF90] =	vst v4;
	s31 =	smov.u32 s3  }
0x71: {  	s3 =	sadd.s32 $0x80, s3;
	v4 =	vld [tilespmem:s31+$0xFFFFFF90];
	v6 =	vmul.f32 $1.131370830e+01, v6;
	[tilespmem:s31+$0x0] =	vst v7  }
0x72: {  	[tilespmem:s31+$0xFFFFFFA0] =	vst v5;
	v3 =	vmul.f32 $1.131370830e+01, v3  }
0x73: {  	[tilespmem:s31+$0xFFFFFFB0] =	vst v6;
	v1 =	vmul.f32 $1.131370830e+01, v1  }
0x74: {  	[tilespmem:s31+$0xFFFFFFC0] =	vst v3;
	v0 =	vmul.f32 $1.131370830e+01, v0  }
0x75: {  	[tilespmem:s31+$0xFFFFFFD0] =	vst v1;
	v1 =	vmul.f32 $1.131370830e+01, v2  }
0x76: {  	s0 =	sadd.s32 s9, s29;
	v2 =	vmul.f32 $1.131370830e+01, v4;
	[tilespmem:s31+$0xFFFFFFE0] =	vst v0  }
0x77: {  	s0 =	sshrl.u32 s0, $0x3;
	[tilespmem:s31+$0xFFFFFFF0] =	vst v1  }
0x78: {  	s0 =	sadd.s32 s2, s0;
	[tilespmem:s31+$0xFFFFFF90] =	vst v2  }
0x79: {  	[hbm4b:s0+s4] =	stream.linear.scatter [tilespmem:s19], [sflag:$0x2], $0x4000, $0x38;
	[tilespmem:$0x15C00] =	vst v63  }
0x7a: {  	_ =	swait.ge [sflag:s23], $0x4000  }
0x7b: {  	s3 =	simm.s32 @!p0 $0x80;
	[sflag:s23] =	ssyncset.done $0x0  }
0x7c: {  	s29 =	simm.s32 @!p0 $0x5C00;
	s0 =	sadd.s32 @!p0 $0x300, s30;
	[sflag:s23] =	ssyncadd.s32 $0xFFFFC000  }
0x7d: {  	[tilespmem:s29], [sflag:$0x1] =	stream.indirect.gather @!p0 [hbm4b:s1+s3], $0x80, s0, s3, $0xb8;
	[tilespmem:$0x15C00] =	vst v63  }
0x7e: {  	_ =	swait.ge [sflag:s21], $0x4000  }
0x7f: {  	[sflag:s21] =	ssyncset.done $0x0  }
0x80: {  	s29 =	simm.s32 $0xDC70;
	[sflag:s21] =	ssyncadd.s32 $0xFFFFC000  }
0x81: {  	v2 =	vld [tilespmem:s29+$0x0]  }
0x82: {  	v4 =	vld [tilespmem:s29+$0xFFFFFFA0]  }
0x83: {  	v6 =	vld [tilespmem:s29+$0xFFFFFFB0]  }
0x84: {  	v3 =	vld [tilespmem:s29+$0xFFFFFFC0]  }
0x85: {  	v1 =	vld [tilespmem:s29+$0xFFFFFFD0]  }
0x86: {  	v0 =	vld [tilespmem:s29+$0xFFFFFFE0];
	v7 =	vmul.f32 $1.131370830e+01, v2  }
0x87: {  	v2 =	vld [tilespmem:s29+$0xFFFFFFF0];
	v5 =	vmul.f32 $1.131370830e+01, v4  }
0x88: {  	s0 =	simm.s32 $0x0;
	s3 =	simm.s32 $0xDCF0;
	v4 =	vld [tilespmem:s29+$0xFFFFFF90];
	v6 =	vmul.f32 $1.131370830e+01, v6;
	[tilespmem:s29+$0x0] =	vst v7  }
.LBB2_9:
0x89: {  	v7 =	vld [tilespmem:s3+$0x0];
	s0 =	sadd.s32 $0x8, s0;
	[tilespmem:s29+$0xFFFFFFA0] =	vst v5;
	v3 =	vmul.f32 $1.131370830e+01, v3  }
0x8a: {  	v5 =	vld [tilespmem:s3+$0xFFFFFFA0];
	p1 =	slt.u32 s0, $0x3F8;
	[tilespmem:s29+$0xFFFFFFB0] =	vst v6;
	v1 =	vmul.f32 $1.131370830e+01, v1  }
0x8b: {  	v6 =	vld [tilespmem:s3+$0xFFFFFFB0];
	[tilespmem:s29+$0xFFFFFFC0] =	vst v3;
	v0 =	vmul.f32 $1.131370830e+01, v0  }
.Ltmp3:
0x8c: {  	v3 =	vld [tilespmem:s3+$0xFFFFFFC0];
	[tilespmem:s29+$0xFFFFFFD0] =	vst v1;
	v2 =	vmul.f32 $1.131370830e+01, v2;
	(pc) =	sbr.rel @p1 .LBB2_9-.Ltmp3, $4  }
0x8d: {  	v1 =	vld [tilespmem:s3+$0xFFFFFFD0];
	v4 =	vmul.f32 $1.131370830e+01, v4;
	[tilespmem:s29+$0xFFFFFFE0] =	vst v0  }
0x8e: {  	v0 =	vld [tilespmem:s3+$0xFFFFFFE0];
	v7 =	vmul.f32 $1.131370830e+01, v7;
	[tilespmem:s29+$0xFFFFFFF0] =	vst v2  }
0x8f: {  	v5 =	vmul.f32 $1.131370830e+01, v5;
	v2 =	vld [tilespmem:s3+$0xFFFFFFF0];
	[tilespmem:s29+$0xFFFFFF90] =	vst v4;
	s29 =	smov.u32 s3  }
0x90: {  	s3 =	sadd.s32 $0x80, s3;
	v4 =	vld [tilespmem:s29+$0xFFFFFF90];
	v6 =	vmul.f32 $1.131370830e+01, v6;
	[tilespmem:s29+$0x0] =	vst v7  }
0x91: {  	[tilespmem:s29+$0xFFFFFFA0] =	vst v5;
	v3 =	vmul.f32 $1.131370830e+01, v3  }
0x92: {  	[tilespmem:s29+$0xFFFFFFB0] =	vst v6;
	v1 =	vmul.f32 $1.131370830e+01, v1  }
0x93: {  	[tilespmem:s29+$0xFFFFFFC0] =	vst v3;
	v0 =	vmul.f32 $1.131370830e+01, v0  }
0x94: {  	s0 =	sshll.u32 s26, $0x13;
	[tilespmem:s29+$0xFFFFFFD0] =	vst v1;
	v1 =	vmul.f32 $1.131370830e+01, v2  }
0x95: {  	s0 =	sor.u32 s6, s0;
	v2 =	vmul.f32 $1.131370830e+01, v4;
	[tilespmem:s29+$0xFFFFFFE0] =	vst v0  }
0x96: {  	s0 =	sshrl.u32 s0, $0x3;
	[tilespmem:s29+$0xFFFFFFF0] =	vst v1  }
0x97: {  	s0 =	sadd.s32 s2, s0;
	[tilespmem:s29+$0xFFFFFF90] =	vst v2  }
0x98: {  	[hbm4b:s0+s4] =	stream.linear.scatter [tilespmem:s20], [sflag:$0x2], $0x4000, $0x38;
	[tilespmem:$0x15C00] =	vst v63  }
0x99: {  	_ =	swait.ge [sflag:s23], $0x4000  }
0x9a: {  	s3 =	simm.s32 @!p0 $0x80;
	[sflag:s23] =	ssyncset.done $0x0  }
0x9b: {  	s26 =	simm.s32 @!p0 $0x9C00;
	s0 =	sadd.s32 @!p0 $0x380, s30;
	[sflag:s23] =	ssyncadd.s32 $0xFFFFC000  }
0x9c: {  	[tilespmem:s26], [sflag:$0x1] =	stream.indirect.gather @!p0 [hbm4b:s1+s3], $0x80, s0, s3, $0xb8;
	[tilespmem:$0x15C00] =	vst v63  }
0x9d: {  	_ =	swait.ge [sflag:s21], $0x4000  }
0x9e: {  	[sflag:s21] =	ssyncset.done $0x0  }
0x9f: {  	s26 =	simm.s32 $0x11C70;
	[sflag:s21] =	ssyncadd.s32 $0xFFFFC000  }
0xa0: {  	v2 =	vld [tilespmem:s26+$0x0]  }
0xa1: {  	v4 =	vld [tilespmem:s26+$0xFFFFFFA0]  }
0xa2: {  	v6 =	vld [tilespmem:s26+$0xFFFFFFB0]  }
0xa3: {  	v3 =	vld [tilespmem:s26+$0xFFFFFFC0]  }
0xa4: {  	v1 =	vld [tilespmem:s26+$0xFFFFFFD0]  }
0xa5: {  	v0 =	vld [tilespmem:s26+$0xFFFFFFE0];
	v7 =	vmul.f32 $1.131370830e+01, v2  }
0xa6: {  	v2 =	vld [tilespmem:s26+$0xFFFFFFF0];
	v5 =	vmul.f32 $1.131370830e+01, v4  }
0xa7: {  	s0 =	simm.s32 $0x0;
	s3 =	simm.s32 $0x11CF0;
	v4 =	vld [tilespmem:s26+$0xFFFFFF90];
	v6 =	vmul.f32 $1.131370830e+01, v6;
	[tilespmem:s26+$0x0] =	vst v7  }
.LBB2_11:
0xa8: {  	v7 =	vld [tilespmem:s3+$0x0];
	s0 =	sadd.s32 $0x8, s0;
	[tilespmem:s26+$0xFFFFFFA0] =	vst v5;
	v3 =	vmul.f32 $1.131370830e+01, v3  }
0xa9: {  	v5 =	vld [tilespmem:s3+$0xFFFFFFA0];
	p0 =	slt.u32 s0, $0x3F8;
	[tilespmem:s26+$0xFFFFFFB0] =	vst v6;
	v1 =	vmul.f32 $1.131370830e+01, v1  }
0xaa: {  	v6 =	vld [tilespmem:s3+$0xFFFFFFB0];
	[tilespmem:s26+$0xFFFFFFC0] =	vst v3;
	v0 =	vmul.f32 $1.131370830e+01, v0  }
.Ltmp4:
0xab: {  	v3 =	vld [tilespmem:s3+$0xFFFFFFC0];
	[tilespmem:s26+$0xFFFFFFD0] =	vst v1;
	v2 =	vmul.f32 $1.131370830e+01, v2;
	(pc) =	sbr.rel @p0 .LBB2_11-.Ltmp4, $4  }
0xac: {  	v1 =	vld [tilespmem:s3+$0xFFFFFFD0];
	v4 =	vmul.f32 $1.131370830e+01, v4;
	[tilespmem:s26+$0xFFFFFFE0] =	vst v0  }
0xad: {  	v0 =	vld [tilespmem:s3+$0xFFFFFFE0];
	v7 =	vmul.f32 $1.131370830e+01, v7;
	[tilespmem:s26+$0xFFFFFFF0] =	vst v2  }
0xae: {  	v5 =	vmul.f32 $1.131370830e+01, v5;
	v2 =	vld [tilespmem:s3+$0xFFFFFFF0];
	[tilespmem:s26+$0xFFFFFF90] =	vst v4;
	s26 =	smov.u32 s3  }
0xaf: {  	s3 =	sadd.s32 $0x80, s3;
	v4 =	vld [tilespmem:s26+$0xFFFFFF90];
	v6 =	vmul.f32 $1.131370830e+01, v6;
	[tilespmem:s26+$0x0] =	vst v7  }
0xb0: {  	[tilespmem:s26+$0xFFFFFFA0] =	vst v5;
	v3 =	vmul.f32 $1.131370830e+01, v3  }
0xb1: {  	s25 =	sadd.s32 $0x1, s25;
	[tilespmem:s26+$0xFFFFFFB0] =	vst v6;
	v1 =	vmul.f32 $1.131370830e+01, v1  }
0xb2: {  	p0 =	sne.s32 s25, $0xA;
	[tilespmem:s26+$0xFFFFFFC0] =	vst v3;
	v0 =	vmul.f32 $1.131370830e+01, v0  }
.Ltmp5:
0xb3: {  	s0 =	sshll.u32 s28, $0x13;
	[tilespmem:s26+$0xFFFFFFD0] =	vst v1;
	v62 =	vmul.f32 $1.131370830e+01, v2;
	(pc) =	sbr.rel @p0 .LBB2_2-.Ltmp5, $4  }
0xb4: {  	s0 =	sor.u32 s6, s0;
	v63 =	vmul.f32 $1.131370830e+01, v4;
	[tilespmem:s26+$0xFFFFFFE0] =	vst v0  }
0xb5: {  	s0 =	sshrl.u32 s0, $0x3;
	[tilespmem:s26+$0xFFFFFFF0] =	vst v62  }
0xb6: {  	s0 =	sadd.s32 s2, s0;
	[tilespmem:s26+$0xFFFFFF90] =	vst v63  }
0xb7: {  	[hbm4b:s0+s4] =	stream.linear.scatter [tilespmem:s22], [sflag:$0x2], $0x4000, $0x38;
	[tilespmem:$0x15C00] =	vst v63  }
0xb8: {  	s24 =	sadd.s32 $0x1, s24  }
0xb9: {  	_ =	swait.ge [sflag:s23], $0x4000;
	p0 =	sne.s32 s24, s10  }
.Ltmp6:
0xba: {  	[sflag:s23] =	ssyncset.done $0x0;
	(pc) =	sbr.rel @p0 .LBB2_1-.Ltmp6, $4  }
0xbb: {  	[sflag:s23] =	ssyncadd.s32 $0xFFFFC000  }
0xbc: {  	_ =	swait.ge [sflag:s23], $0x4000  }
0xbd: {  	[sflag:s23] =	ssyncset.done $0x0  }
0xbe: {  	[sflag:s23] =	ssyncadd.s32 $0xFFFFC000  }
0xbf: {  	_ =	sfence.sel $0x180000  }
0xc0: {  	[bflag:$0x0] =	sbarrier.arrive $0xFFFF  }
0xc1: {  	_ =	strace $0x90000047  }
0xc2: {  	s0 =	stileid.u32;
	[bflag:$0x2] =	sbarrier.arrive $0xFFFF  }
0xc3: {  	p0 =	sne.s32 s0, $0x0;
	s0 =	rddreg [dreg:$0x3]  }
0xc4: {  	s0 =	sadd.s32 @!p0 $0x100000, s0  }
0xc5: {  	[sflag:s0] =	ssyncadd.tile.s32 @!p0 $0x1;
	_ =	shalt  }
.Lfunc_end2:
_tile_overlayer_lowered:
.L_overlay_start_2:
0xc6: {  	(tag) =	ssettag $0x2  }
0xc7: {  	s0 =	rddreg [dreg:$0x0];
	s2 =	stileid.u32  }
0xc8: {  	s1 =	rddreg [dreg:$0x1];
	p0 =	sne.s32 s2, $0x0  }
0xc9: {  	s3 =	rddreg [dreg:$0x2];
	[bflag:$0x3] =	sbarrier.arrive $0xFFFF;
	s2 =	simm.s32 @!p0 $0x1C03  }
0xca: {  	[timem:s3], [sflag:s2] =	dma.local @!p0 [hbm:s0], s1  }
0xcb: {  	s0 =	simm.s32 @!p0 $0x3  }
0xcc: {  	_ =	swait.ge @!p0 [sflag:s0], s1  }
0xcd: {  	s1 =	ssub.s32 @!p0 $0x0, s1;
	[sflag:s0] =	ssyncset.done @!p0 $0x0  }
0xce: {  	[sflag:s0] =	ssyncadd.s32 @!p0 s1  }
0xcf: {  	[bflag:$0x3] =	sbarrier.arrive $0xFFFF  }
0xd0: {  	_ =	shalt  }

</sc_bundles>
